<compile_context>
chip_gen: v7x
topology: tpu7x:2x2x1
jax: 0.10.2.dev20260603
libtpu: 0.0.44.dev20260713+nightly
codegen_flags: <defaults>
</compile_context>

<pallas_src>
import functools

import jax
import jax.numpy as jnp
from jax import lax
from jax.experimental import pallas as pl
from jax.experimental.pallas import tpu as pltpu
from jax.experimental.pallas import tpu_sc as plsc

_B = 4096 * 200
_D = 64
_DP = 128
_NW = 32
_BPW = _B // _NW
_C = 128
_NBUF = 5
_LAG = 4
_NCH = _BPW // _C
_NT = _NCH // _NBUF

_mesh = plsc.VectorSubcoreMesh(core_axis_name="c", subcore_axis_name="s")


@functools.partial(
    pl.kernel,
    out_type=jax.ShapeDtypeStruct((_B, _DP), jnp.float32),
    mesh=_mesh,
    scratch_types=[
        pltpu.VMEM((_NBUF, _C), jnp.int32),
        pltpu.VMEM((_NBUF, _C, _DP), jnp.float32),
        pltpu.SemaphoreType.DMA((_NBUF,)),
        pltpu.SemaphoreType.DMA((_NBUF,)),
        pltpu.SemaphoreType.DMA((_NBUF,)),
    ],
    compiler_params=pltpu.CompilerParams(use_tc_tiling_on_sc=False),
)
def _gather_kernel(ids_hbm, table_hbm, out_hbm, idx_v, rows_v,
                   isem, gsem, osem):
    wid = lax.axis_index("s") * 2 + lax.axis_index("c")
    base = wid * _BPW

    def fire_idx(g, b):
        pltpu.async_copy(ids_hbm.at[pl.ds(base + g * _C, _C)],
                         idx_v.at[b], isem.at[b])

    def wait_idx(b):
        pltpu.make_async_copy(ids_hbm.at[pl.ds(0, _C)], idx_v.at[b],
                              isem.at[b]).wait()

    def fire_gather(b):
        pltpu.async_copy(table_hbm.at[idx_v.at[b]], rows_v.at[b], gsem.at[b])

    def wait_gather(b):
        pltpu.make_async_copy(table_hbm.at[idx_v.at[b]], rows_v.at[b],
                              gsem.at[b]).wait()

    def fire_out(g, b):
        pltpu.async_copy(rows_v.at[b, :, pl.ds(0, _D)],
                         out_hbm.at[pl.ds(base + g * _C, _C), pl.ds(0, _D)],
                         osem.at[b])

    def wait_out(b):
        pltpu.make_async_copy(rows_v.at[b, :, pl.ds(0, _D)],
                              out_hbm.at[pl.ds(0, _C), pl.ds(0, _D)],
                              osem.at[b]).wait()

    def drain(g, b):
        wait_gather(b)
        fire_out(g, b)
        if isinstance(g, int):
            if g + _NBUF < _NCH:
                fire_idx(g + _NBUF, b)
        else:
            @pl.when(g + _NBUF < _NCH)
            def _():
                fire_idx(g + _NBUF, b)

    for b in range(_NBUF):
        fire_idx(b, b)
    for j in range(_NBUF):
        wait_idx(j)
        fire_gather(j)
        if j >= _LAG:
            drain(j - _LAG, j - _LAG)

    def body(t, carry):
        for b in range(_NBUF):
            g = t * _NBUF + b
            wait_out(b)
            wait_idx(b)
            fire_gather(b)
            drain(g - _LAG, (b - _LAG) % _NBUF)
        return carry

    lax.fori_loop(1, _NT, body, 0)

    for j in range(_NCH - _LAG, _NCH):
        drain(j, j % _NBUF)
    for b in range(_NBUF):
        wait_out(b)


def kernel(item_ids, table):
    num_embeddings, d = table.shape
    ids = jnp.clip(item_ids.reshape(-1), 0, num_embeddings - 1)
    table_p = jnp.pad(table, ((0, 0), (0, _DP - d)))
    out_p = _gather_kernel(ids, table_p)
    return out_p[:, :d].reshape(item_ids.shape + (d,))

# --- scband reference (transcript-rebuilt; emitter-appended) ---
"""Pipeline reference for scband-local-embedding-module-41197326303479 (READ-ONLY COPY).

The authoritative reference and input builder live on the scoring server;
editing this copy changes nothing except your own understanding.
"""

import jax, jax.numpy as jnp
import numpy as np

NUM_ITEMS = 1000000
EMBED_DIM = 64
BATCH = 4096
HIST = 200


def setup_inputs(seed: int = 0) -> dict:
    key = jax.random.key(seed)
    k_ids, k_tab = jax.random.split(key)
    # item_ids: int indices into the embedding table rows [0, NUM_ITEMS]
    item_ids = jax.random.randint(k_ids, (BATCH, HIST), 0, NUM_ITEMS + 1, dtype=jnp.int32)
    # Embedding table: (num_items + 1, base_item_embedding_dim), truncated normal std=0.02
    table = jax.random.truncated_normal(k_tab, -2.0, 2.0, (NUM_ITEMS + 1, EMBED_DIM), dtype=jnp.float32) * 0.02
    return {"item_ids": item_ids, "table": table}


def reference(item_ids, table):
    # LocalEmbeddingModule.get_item_embeddings with use_embedding_adapter=False:
    # clamp out-of-range ids then plain embedding lookup (adapter/norm are Identity).
    num_embeddings = table.shape[0]
    ids = jnp.clip(item_ids, 0, num_embeddings - 1)
    embeddings = jnp.take(table, ids, axis=0)
    return embeddings

if __name__ == "__main__":
    import jax
    _d = setup_inputs()
    print(jax.jit(kernel)(*tuple(_d.values())))

</pallas_src>

<mosaic_0001>
#map = affine_map<(d0, d1) -> (0)>
#map1 = affine_map<(d0, d1) -> (0, 0)>
module attributes {stable_mosaic.version = 14 : i64} {
  func.func @_gather_kernel(%arg0: i32, %arg1: i32, %arg2: memref<819200xi32, #tpu.memory_space<hbm>>, %arg3: memref<1000001x128xf32, #tpu.memory_space<hbm>>, %arg4: memref<819200x128xf32, #tpu.memory_space<hbm>>, %arg5: memref<5x128xi32, #tpu.memory_space<vmem>>, %arg6: memref<5x128x128xf32, #tpu.memory_space<vmem>>, %arg7: memref<5x!tpu.dma_semaphore, #tpu.memory_space<semaphore_mem>>, %arg8: memref<5x!tpu.dma_semaphore, #tpu.memory_space<semaphore_mem>>, %arg9: memref<5x!tpu.dma_semaphore, #tpu.memory_space<semaphore_mem>>) attributes {dimension_semantics = [#tpu.dimension_semantics<core_parallel>, #tpu.dimension_semantics<subcore_parallel>], iteration_bounds = array<i64: 2, 16>, scalar_prefetch = 0 : i64, scratch_operands = 5 : i64, tpu.core_type = #tpu.core_type<sc_vector_subcore>, window_params = [{transform_indices = #map}, {transform_indices = #map1}, {transform_indices = #map1}]} {
    %mul3A = arith.constant 2 : i32
    %mul3A_0 = arith.muli %arg1, %mul3A : i32
    %add3A = arith.addi %mul3A_0, %arg0 : i32
    %mul3A_1 = arith.constant 25600 : i32
    %mul3A_2 = arith.muli %add3A, %mul3A_1 : i32
    %add3A_3 = arith.constant 0 : i32
    %add3A_4 = arith.addi %mul3A_2, %add3A_3 : i32
    %dma_start3A = arith.constant 0 : i32
    %dma_start3A_5 = arith.constant 0 : i32
    %dma_start3A_6 = arith.constant 0 : i32
    %dma_start3A_7 = tpu.memref_slice %arg5[%dma_start3A, %dma_start3A_6] : memref<5x128xi32, #tpu.memory_space<vmem>> -> memref<1x128xi32, #tpu.memory_space<vmem>>
    %dma_start3A_8 = tpu.memref_squeeze %dma_start3A_7 : memref<1x128xi32, #tpu.memory_space<vmem>> -> memref<128xi32, #tpu.memory_space<vmem>>
    %dma_start3A_9 = tpu.memref_slice %arg2[%add3A_4] : memref<819200xi32, #tpu.memory_space<hbm>> -> memref<128xi32, #tpu.memory_space<hbm>>
    %dma_start3A_10 = tpu.memref_slice %arg7[%dma_start3A_5] : memref<5x!tpu.dma_semaphore, #tpu.memory_space<semaphore_mem>> -> memref<1x!tpu.dma_semaphore, #tpu.memory_space<semaphore_mem>>
    %dma_start3A_11 = tpu.memref_squeeze %dma_start3A_10 : memref<1x!tpu.dma_semaphore, #tpu.memory_space<semaphore_mem>> -> memref<!tpu.dma_semaphore, #tpu.memory_space<semaphore_mem>>
    %dma_start3A_12 = arith.constant 0 : i32
    %dma_start3A_13 = tpu.memref_slice %arg5[%dma_start3A, %dma_start3A_12] : memref<5x128xi32, #tpu.memory_space<vmem>> -> memref<1x128xi32, #tpu.memory_space<vmem>>
    %dma_start3A_14 = tpu.memref_squeeze %dma_start3A_13 : memref<1x128xi32, #tpu.memory_space<vmem>> -> memref<128xi32, #tpu.memory_space<vmem>>
    %dma_start3A_15 = tpu.memref_slice %arg2[%add3A_4] : memref<819200xi32, #tpu.memory_space<hbm>> -> memref<128xi32, #tpu.memory_space<hbm>>
    tpu.enqueue_dma source(%dma_start3A_15 : memref<128xi32, #tpu.memory_space<hbm>>) target(%dma_start3A_14 : memref<128xi32, #tpu.memory_space<vmem>>) target_semaphore(%dma_start3A_11 : memref<!tpu.dma_semaphore, #tpu.memory_space<semaphore_mem>>)
    %add3A_16 = arith.constant 128 : i32
    %add3A_17 = arith.addi %mul3A_2, %add3A_16 : i32
    %dma_start3A_18 = arith.constant 1 : i32
    %dma_start3A_19 = arith.constant 1 : i32
    %dma_start3A_20 = arith.constant 0 : i32
    %dma_start3A_21 = tpu.memref_slice %arg5[%dma_start3A_18, %dma_start3A_20] : memref<5x128xi32, #tpu.memory_space<vmem>> -> memref<1x128xi32, #tpu.memory_space<vmem>>
    %dma_start3A_22 = tpu.memref_squeeze %dma_start3A_21 : memref<1x128xi32, #tpu.memory_space<vmem>> -> memref<128xi32, #tpu.memory_space<vmem>>
    %dma_start3A_23 = tpu.memref_slice %arg2[%add3A_17] : memref<819200xi32, #tpu.memory_space<hbm>> -> memref<128xi32, #tpu.memory_space<hbm>>
    %dma_start3A_24 = tpu.memref_slice %arg7[%dma_start3A_19] : memref<5x!tpu.dma_semaphore, #tpu.memory_space<semaphore_mem>> -> memref<1x!tpu.dma_semaphore, #tpu.memory_space<semaphore_mem>>
    %dma_start3A_25 = tpu.memref_squeeze %dma_start3A_24 : memref<1x!tpu.dma_semaphore, #tpu.memory_space<semaphore_mem>> -> memref<!tpu.dma_semaphore, #tpu.memory_space<semaphore_mem>>
    %dma_start3A_26 = arith.constant 0 : i32
    %dma_start3A_27 = tpu.memref_slice %arg5[%dma_start3A_18, %dma_start3A_26] : memref<5x128xi32, #tpu.memory_space<vmem>> -> memref<1x128xi32, #tpu.memory_space<vmem>>
    %dma_start3A_28 = tpu.memref_squeeze %dma_start3A_27 : memref<1x128xi32, #tpu.memory_space<vmem>> -> memref<128xi32, #tpu.memory_space<vmem>>
    %dma_start3A_29 = tpu.memref_slice %arg2[%add3A_17] : memref<819200xi32, #tpu.memory_space<hbm>> -> memref<128xi32, #tpu.memory_space<hbm>>
    tpu.enqueue_dma source(%dma_start3A_29 : memref<128xi32, #tpu.memory_space<hbm>>) target(%dma_start3A_28 : memref<128xi32, #tpu.memory_space<vmem>>) target_semaphore(%dma_start3A_25 : memref<!tpu.dma_semaphore, #tpu.memory_space<semaphore_mem>>)
    %add3A_30 = arith.constant 256 : i32
    %add3A_31 = arith.addi %mul3A_2, %add3A_30 : i32
    %dma_start3A_32 = arith.constant 2 : i32
    %dma_start3A_33 = arith.constant 2 : i32
    %dma_start3A_34 = arith.constant 0 : i32
    %dma_start3A_35 = tpu.memref_slice %arg5[%dma_start3A_32, %dma_start3A_34] : memref<5x128xi32, #tpu.memory_space<vmem>> -> memref<1x128xi32, #tpu.memory_space<vmem>>
    %dma_start3A_36 = tpu.memref_squeeze %dma_start3A_35 : memref<1x128xi32, #tpu.memory_space<vmem>> -> memref<128xi32, #tpu.memory_space<vmem>>
    %dma_start3A_37 = tpu.memref_slice %arg2[%add3A_31] : memref<819200xi32, #tpu.memory_space<hbm>> -> memref<128xi32, #tpu.memory_space<hbm>>
    %dma_start3A_38 = tpu.memref_slice %arg7[%dma_start3A_33] : memref<5x!tpu.dma_semaphore, #tpu.memory_space<semaphore_mem>> -> memref<1x!tpu.dma_semaphore, #tpu.memory_space<semaphore_mem>>
    %dma_start3A_39 = tpu.memref_squeeze %dma_start3A_38 : memref<1x!tpu.dma_semaphore, #tpu.memory_space<semaphore_mem>> -> memref<!tpu.dma_semaphore, #tpu.memory_space<semaphore_mem>>
    %dma_start3A_40 = arith.constant 0 : i32
    %dma_start3A_41 = tpu.memref_slice %arg5[%dma_start3A_32, %dma_start3A_40] : memref<5x128xi32, #tpu.memory_space<vmem>> -> memref<1x128xi32, #tpu.memory_space<vmem>>
    %dma_start3A_42 = tpu.memref_squeeze %dma_start3A_41 : memref<1x128xi32, #tpu.memory_space<vmem>> -> memref<128xi32, #tpu.memory_space<vmem>>
    %dma_start3A_43 = tpu.memref_slice %arg2[%add3A_31] : memref<819200xi32, #tpu.memory_space<hbm>> -> memref<128xi32, #tpu.memory_space<hbm>>
    tpu.enqueue_dma source(%dma_start3A_43 : memref<128xi32, #tpu.memory_space<hbm>>) target(%dma_start3A_42 : memref<128xi32, #tpu.memory_space<vmem>>) target_semaphore(%dma_start3A_39 : memref<!tpu.dma_semaphore, #tpu.memory_space<semaphore_mem>>)
    %add3A_44 = arith.constant 384 : i32
    %add3A_45 = arith.addi %mul3A_2, %add3A_44 : i32
    %dma_start3A_46 = arith.constant 3 : i32
    %dma_start3A_47 = arith.constant 3 : i32
    %dma_start3A_48 = arith.constant 0 : i32
    %dma_start3A_49 = tpu.memref_slice %arg5[%dma_start3A_46, %dma_start3A_48] : memref<5x128xi32, #tpu.memory_space<vmem>> -> memref<1x128xi32, #tpu.memory_space<vmem>>
    %dma_start3A_50 = tpu.memref_squeeze %dma_start3A_49 : memref<1x128xi32, #tpu.memory_space<vmem>> -> memref<128xi32, #tpu.memory_space<vmem>>
    %dma_start3A_51 = tpu.memref_slice %arg2[%add3A_45] : memref<819200xi32, #tpu.memory_space<hbm>> -> memref<128xi32, #tpu.memory_space<hbm>>
    %dma_start3A_52 = tpu.memref_slice %arg7[%dma_start3A_47] : memref<5x!tpu.dma_semaphore, #tpu.memory_space<semaphore_mem>> -> memref<1x!tpu.dma_semaphore, #tpu.memory_space<semaphore_mem>>
    %dma_start3A_53 = tpu.memref_squeeze %dma_start3A_52 : memref<1x!tpu.dma_semaphore, #tpu.memory_space<semaphore_mem>> -> memref<!tpu.dma_semaphore, #tpu.memory_space<semaphore_mem>>
    %dma_start3A_54 = arith.constant 0 : i32
    %dma_start3A_55 = tpu.memref_slice %arg5[%dma_start3A_46, %dma_start3A_54] : memref<5x128xi32, #tpu.memory_space<vmem>> -> memref<1x128xi32, #tpu.memory_space<vmem>>
    %dma_start3A_56 = tpu.memref_squeeze %dma_start3A_55 : memref<1x128xi32, #tpu.memory_space<vmem>> -> memref<128xi32, #tpu.memory_space<vmem>>
    %dma_start3A_57 = tpu.memref_slice %arg2[%add3A_45] : memref<819200xi32, #tpu.memory_space<hbm>> -> memref<128xi32, #tpu.memory_space<hbm>>
    tpu.enqueue_dma source(%dma_start3A_57 : memref<128xi32, #tpu.memory_space<hbm>>) target(%dma_start3A_56 : memref<128xi32, #tpu.memory_space<vmem>>) target_semaphore(%dma_start3A_53 : memref<!tpu.dma_semaphore, #tpu.memory_space<semaphore_mem>>)
    %add3A_58 = arith.constant 512 : i32
    %add3A_59 = arith.addi %mul3A_2, %add3A_58 : i32
    %dma_start3A_60 = arith.constant 4 : i32
    %dma_start3A_61 = arith.constant 4 : i32
    %dma_start3A_62 = arith.constant 0 : i32
    %dma_start3A_63 = tpu.memref_slice %arg5[%dma_start3A_60, %dma_start3A_62] : memref<5x128xi32, #tpu.memory_space<vmem>> -> memref<1x128xi32, #tpu.memory_space<vmem>>
    %dma_start3A_64 = tpu.memref_squeeze %dma_start3A_63 : memref<1x128xi32, #tpu.memory_space<vmem>> -> memref<128xi32, #tpu.memory_space<vmem>>
    %dma_start3A_65 = tpu.memref_slice %arg2[%add3A_59] : memref<819200xi32, #tpu.memory_space<hbm>> -> memref<128xi32, #tpu.memory_space<hbm>>
    %dma_start3A_66 = tpu.memref_slice %arg7[%dma_start3A_61] : memref<5x!tpu.dma_semaphore, #tpu.memory_space<semaphore_mem>> -> memref<1x!tpu.dma_semaphore, #tpu.memory_space<semaphore_mem>>
    %dma_start3A_67 = tpu.memref_squeeze %dma_start3A_66 : memref<1x!tpu.dma_semaphore, #tpu.memory_space<semaphore_mem>> -> memref<!tpu.dma_semaphore, #tpu.memory_space<semaphore_mem>>
    %dma_start3A_68 = arith.constant 0 : i32
    %dma_start3A_69 = tpu.memref_slice %arg5[%dma_start3A_60, %dma_start3A_68] : memref<5x128xi32, #tpu.memory_space<vmem>> -> memref<1x128xi32, #tpu.memory_space<vmem>>
    %dma_start3A_70 = tpu.memref_squeeze %dma_start3A_69 : memref<1x128xi32, #tpu.memory_space<vmem>> -> memref<128xi32, #tpu.memory_space<vmem>>
    %dma_start3A_71 = tpu.memref_slice %arg2[%add3A_59] : memref<819200xi32, #tpu.memory_space<hbm>> -> memref<128xi32, #tpu.memory_space<hbm>>
    tpu.enqueue_dma source(%dma_start3A_71 : memref<128xi32, #tpu.memory_space<hbm>>) target(%dma_start3A_70 : memref<128xi32, #tpu.memory_space<vmem>>) target_semaphore(%dma_start3A_67 : memref<!tpu.dma_semaphore, #tpu.memory_space<semaphore_mem>>)
    %dma_wait3A = arith.constant 0 : i32
    %dma_wait3A_72 = arith.constant 0 : i32
    %dma_wait3A_73 = arith.constant 0 : i32
    %dma_wait3A_74 = tpu.memref_slice %arg5[%dma_wait3A, %dma_wait3A_73] : memref<5x128xi32, #tpu.memory_space<vmem>> -> memref<1x128xi32, #tpu.memory_space<vmem>>
    %dma_wait3A_75 = tpu.memref_squeeze %dma_wait3A_74 : memref<1x128xi32, #tpu.memory_space<vmem>> -> memref<128xi32, #tpu.memory_space<vmem>>
    %dma_wait3A_76 = arith.constant 0 : i32
    %dma_wait3A_77 = tpu.memref_slice %arg2[%dma_wait3A_76] : memref<819200xi32, #tpu.memory_space<hbm>> -> memref<128xi32, #tpu.memory_space<hbm>>
    %dma_wait3A_78 = tpu.memref_slice %arg7[%dma_wait3A_72] : memref<5x!tpu.dma_semaphore, #tpu.memory_space<semaphore_mem>> -> memref<1x!tpu.dma_semaphore, #tpu.memory_space<semaphore_mem>>
    %dma_wait3A_79 = tpu.memref_squeeze %dma_wait3A_78 : memref<1x!tpu.dma_semaphore, #tpu.memory_space<semaphore_mem>> -> memref<!tpu.dma_semaphore, #tpu.memory_space<semaphore_mem>>
    %dma_wait3A_80 = arith.constant 0 : i32
    %dma_wait3A_81 = tpu.memref_slice %arg5[%dma_wait3A, %dma_wait3A_80] : memref<5x128xi32, #tpu.memory_space<vmem>> -> memref<1x128xi32, #tpu.memory_space<vmem>>
    %dma_wait3A_82 = tpu.memref_squeeze %dma_wait3A_81 : memref<1x128xi32, #tpu.memory_space<vmem>> -> memref<128xi32, #tpu.memory_space<vmem>>
    %dma_wait3A_83 = arith.constant 0 : i32
    %dma_wait3A_84 = tpu.memref_slice %arg2[%dma_wait3A_83] : memref<819200xi32, #tpu.memory_space<hbm>> -> memref<128xi32, #tpu.memory_space<hbm>>
    tpu.wait_dma2 semaphore(%dma_wait3A_79 : memref<!tpu.dma_semaphore, #tpu.memory_space<semaphore_mem>>) src(%dma_wait3A_84 : memref<128xi32, #tpu.memory_space<hbm>>) dst(%dma_wait3A_82 : memref<128xi32, #tpu.memory_space<vmem>>)
    %dma_start3A_85 = arith.constant 0 : i32
    %dma_start3A_86 = arith.constant 0 : i32
    %dma_start3A_87 = arith.constant 0 : i32
    %dma_start3A_88 = arith.constant 0 : i32
    %dma_start3A_89 = arith.constant 0 : i32
    %dma_start3A_90 = tpu.memref_slice %arg6[%dma_start3A_86, %dma_start3A_88, %dma_start3A_89] : memref<5x128x128xf32, #tpu.memory_space<vmem>> -> memref<1x128x128xf32, #tpu.memory_space<vmem>>
    %dma_start3A_91 = tpu.memref_squeeze %dma_start3A_90 : memref<1x128x128xf32, #tpu.memory_space<vmem>> -> memref<128x128xf32, #tpu.memory_space<vmem>>
    %dma_start3A_92 = arith.constant 0 : i32
    %dma_start3A_93 = tpu.memref_slice %arg5[%dma_start3A_85, %dma_start3A_92] : memref<5x128xi32, #tpu.memory_space<vmem>> -> memref<1x128xi32, #tpu.memory_space<vmem>>
    %dma_start3A_94 = tpu.memref_squeeze %dma_start3A_93 : memref<1x128xi32, #tpu.memory_space<vmem>> -> memref<128xi32, #tpu.memory_space<vmem>>
    %dma_start3A_95 = arith.constant 0 : i32
    %dma_start3A_96 = arith.constant 0 : i32
    %dma_start3A_97 = tpu.memref_slice %arg3[%dma_start3A_95, %dma_start3A_96] : memref<1000001x128xf32, #tpu.memory_space<hbm>> -> memref<1000001x128xf32, #tpu.memory_space<hbm>>
    %dma_start3A_98 = tpu.memref_slice %arg8[%dma_start3A_87] : memref<5x!tpu.dma_semaphore, #tpu.memory_space<semaphore_mem>> -> memref<1x!tpu.dma_semaphore, #tpu.memory_space<semaphore_mem>>
    %dma_start3A_99 = tpu.memref_squeeze %dma_start3A_98 : memref<1x!tpu.dma_semaphore, #tpu.memory_space<semaphore_mem>> -> memref<!tpu.dma_semaphore, #tpu.memory_space<semaphore_mem>>
    tpu.enqueue_indirect_dma source(%dma_start3A_97 : memref<1000001x128xf32, #tpu.memory_space<hbm>>) target(%dma_start3A_91 : memref<128x128xf32, #tpu.memory_space<vmem>>) offsets(%dma_start3A_94 : memref<128xi32, #tpu.memory_space<vmem>>) semaphore(%dma_start3A_99 : memref<!tpu.dma_semaphore, #tpu.memory_space<semaphore_mem>>)
    %dma_wait3A_100 = arith.constant 1 : i32
    %dma_wait3A_101 = arith.constant 1 : i32
    %dma_wait3A_102 = arith.constant 0 : i32
    %dma_wait3A_103 = tpu.memref_slice %arg5[%dma_wait3A_100, %dma_wait3A_102] : memref<5x128xi32, #tpu.memory_space<vmem>> -> memref<1x128xi32, #tpu.memory_space<vmem>>
    %dma_wait3A_104 = tpu.memref_squeeze %dma_wait3A_103 : memref<1x128xi32, #tpu.memory_space<vmem>> -> memref<128xi32, #tpu.memory_space<vmem>>
    %dma_wait3A_105 = arith.constant 0 : i32
    %dma_wait3A_106 = tpu.memref_slice %arg2[%dma_wait3A_105] : memref<819200xi32, #tpu.memory_space<hbm>> -> memref<128xi32, #tpu.memory_space<hbm>>
    %dma_wait3A_107 = tpu.memref_slice %arg7[%dma_wait3A_101] : memref<5x!tpu.dma_semaphore, #tpu.memory_space<semaphore_mem>> -> memref<1x!tpu.dma_semaphore, #tpu.memory_space<semaphore_mem>>
    %dma_wait3A_108 = tpu.memref_squeeze %dma_wait3A_107 : memref<1x!tpu.dma_semaphore, #tpu.memory_space<semaphore_mem>> -> memref<!tpu.dma_semaphore, #tpu.memory_space<semaphore_mem>>
    %dma_wait3A_109 = arith.constant 0 : i32
    %dma_wait3A_110 = tpu.memref_slice %arg5[%dma_wait3A_100, %dma_wait3A_109] : memref<5x128xi32, #tpu.memory_space<vmem>> -> memref<1x128xi32, #tpu.memory_space<vmem>>
    %dma_wait3A_111 = tpu.memref_squeeze %dma_wait3A_110 : memref<1x128xi32, #tpu.memory_space<vmem>> -> memref<128xi32, #tpu.memory_space<vmem>>
    %dma_wait3A_112 = arith.constant 0 : i32
    %dma_wait3A_113 = tpu.memref_slice %arg2[%dma_wait3A_112] : memref<819200xi32, #tpu.memory_space<hbm>> -> memref<128xi32, #tpu.memory_space<hbm>>
    tpu.wait_dma2 semaphore(%dma_wait3A_108 : memref<!tpu.dma_semaphore, #tpu.memory_space<semaphore_mem>>) src(%dma_wait3A_113 : memref<128xi32, #tpu.memory_space<hbm>>) dst(%dma_wait3A_111 : memref<128xi32, #tpu.memory_space<vmem>>)
    %dma_start3A_114 = arith.constant 1 : i32
    %dma_start3A_115 = arith.constant 1 : i32
    %dma_start3A_116 = arith.constant 1 : i32
    %dma_start3A_117 = arith.constant 0 : i32
    %dma_start3A_118 = arith.constant 0 : i32
    %dma_start3A_119 = tpu.memref_slice %arg6[%dma_start3A_115, %dma_start3A_117, %dma_start3A_118] : memref<5x128x128xf32, #tpu.memory_space<vmem>> -> memref<1x128x128xf32, #tpu.memory_space<vmem>>
    %dma_start3A_120 = tpu.memref_squeeze %dma_start3A_119 : memref<1x128x128xf32, #tpu.memory_space<vmem>> -> memref<128x128xf32, #tpu.memory_space<vmem>>
    %dma_start3A_121 = arith.constant 0 : i32
    %dma_start3A_122 = tpu.memref_slice %arg5[%dma_start3A_114, %dma_start3A_121] : memref<5x128xi32, #tpu.memory_space<vmem>> -> memref<1x128xi32, #tpu.memory_space<vmem>>
    %dma_start3A_123 = tpu.memref_squeeze %dma_start3A_122 : memref<1x128xi32, #tpu.memory_space<vmem>> -> memref<128xi32, #tpu.memory_space<vmem>>
    %dma_start3A_124 = arith.constant 0 : i32
    %dma_start3A_125 = arith.constant 0 : i32
    %dma_start3A_126 = tpu.memref_slice %arg3[%dma_start3A_124, %dma_start3A_125] : memref<1000001x128xf32, #tpu.memory_space<hbm>> -> memref<1000001x128xf32, #tpu.memory_space<hbm>>
    %dma_start3A_127 = tpu.memref_slice %arg8[%dma_start3A_116] : memref<5x!tpu.dma_semaphore, #tpu.memory_space<semaphore_mem>> -> memref<1x!tpu.dma_semaphore, #tpu.memory_space<semaphore_mem>>
    %dma_start3A_128 = tpu.memref_squeeze %dma_start3A_127 : memref<1x!tpu.dma_semaphore, #tpu.memory_space<semaphore_mem>> -> memref<!tpu.dma_semaphore, #tpu.memory_space<semaphore_mem>>
    tpu.enqueue_indirect_dma source(%dma_start3A_126 : memref<1000001x128xf32, #tpu.memory_space<hbm>>) target(%dma_start3A_120 : memref<128x128xf32, #tpu.memory_space<vmem>>) offsets(%dma_start3A_123 : memref<128xi32, #tpu.memory_space<vmem>>) semaphore(%dma_start3A_128 : memref<!tpu.dma_semaphore, #tpu.memory_space<semaphore_mem>>)
    %dma_wait3A_129 = arith.constant 2 : i32
    %dma_wait3A_130 = arith.constant 2 : i32
    %dma_wait3A_131 = arith.constant 0 : i32
    %dma_wait3A_132 = tpu.memref_slice %arg5[%dma_wait3A_129, %dma_wait3A_131] : memref<5x128xi32, #tpu.memory_space<vmem>> -> memref<1x128xi32, #tpu.memory_space<vmem>>
    %dma_wait3A_133 = tpu.memref_squeeze %dma_wait3A_132 : memref<1x128xi32, #tpu.memory_space<vmem>> -> memref<128xi32, #tpu.memory_space<vmem>>
    %dma_wait3A_134 = arith.constant 0 : i32
    %dma_wait3A_135 = tpu.memref_slice %arg2[%dma_wait3A_134] : memref<819200xi32, #tpu.memory_space<hbm>> -> memref<128xi32, #tpu.memory_space<hbm>>
    %dma_wait3A_136 = tpu.memref_slice %arg7[%dma_wait3A_130] : memref<5x!tpu.dma_semaphore, #tpu.memory_space<semaphore_mem>> -> memref<1x!tpu.dma_semaphore, #tpu.memory_space<semaphore_mem>>
    %dma_wait3A_137 = tpu.memref_squeeze %dma_wait3A_136 : memref<1x!tpu.dma_semaphore, #tpu.memory_space<semaphore_mem>> -> memref<!tpu.dma_semaphore, #tpu.memory_space<semaphore_mem>>
    %dma_wait3A_138 = arith.constant 0 : i32
    %dma_wait3A_139 = tpu.memref_slice %arg5[%dma_wait3A_129, %dma_wait3A_138] : memref<5x128xi32, #tpu.memory_space<vmem>> -> memref<1x128xi32, #tpu.memory_space<vmem>>
    %dma_wait3A_140 = tpu.memref_squeeze %dma_wait3A_139 : memref<1x128xi32, #tpu.memory_space<vmem>> -> memref<128xi32, #tpu.memory_space<vmem>>
    %dma_wait3A_141 = arith.constant 0 : i32
    %dma_wait3A_142 = tpu.memref_slice %arg2[%dma_wait3A_141] : memref<819200xi32, #tpu.memory_space<hbm>> -> memref<128xi32, #tpu.memory_space<hbm>>
    tpu.wait_dma2 semaphore(%dma_wait3A_137 : memref<!tpu.dma_semaphore, #tpu.memory_space<semaphore_mem>>) src(%dma_wait3A_142 : memref<128xi32, #tpu.memory_space<hbm>>) dst(%dma_wait3A_140 : memref<128xi32, #tpu.memory_space<vmem>>)
    %dma_start3A_143 = arith.constant 2 : i32
    %dma_start3A_144 = arith.constant 2 : i32
    %dma_start3A_145 = arith.constant 2 : i32
    %dma_start3A_146 = arith.constant 0 : i32
    %dma_start3A_147 = arith.constant 0 : i32
    %dma_start3A_148 = tpu.memref_slice %arg6[%dma_start3A_144, %dma_start3A_146, %dma_start3A_147] : memref<5x128x128xf32, #tpu.memory_space<vmem>> -> memref<1x128x128xf32, #tpu.memory_space<vmem>>
    %dma_start3A_149 = tpu.memref_squeeze %dma_start3A_148 : memref<1x128x128xf32, #tpu.memory_space<vmem>> -> memref<128x128xf32, #tpu.memory_space<vmem>>
    %dma_start3A_150 = arith.constant 0 : i32
    %dma_start3A_151 = tpu.memref_slice %arg5[%dma_start3A_143, %dma_start3A_150] : memref<5x128xi32, #tpu.memory_space<vmem>> -> memref<1x128xi32, #tpu.memory_space<vmem>>
    %dma_start3A_152 = tpu.memref_squeeze %dma_start3A_151 : memref<1x128xi32, #tpu.memory_space<vmem>> -> memref<128xi32, #tpu.memory_space<vmem>>
    %dma_start3A_153 = arith.constant 0 : i32
    %dma_start3A_154 = arith.constant 0 : i32
    %dma_start3A_155 = tpu.memref_slice %arg3[%dma_start3A_153, %dma_start3A_154] : memref<1000001x128xf32, #tpu.memory_space<hbm>> -> memref<1000001x128xf32, #tpu.memory_space<hbm>>
    %dma_start3A_156 = tpu.memref_slice %arg8[%dma_start3A_145] : memref<5x!tpu.dma_semaphore, #tpu.memory_space<semaphore_mem>> -> memref<1x!tpu.dma_semaphore, #tpu.memory_space<semaphore_mem>>
    %dma_start3A_157 = tpu.memref_squeeze %dma_start3A_156 : memref<1x!tpu.dma_semaphore, #tpu.memory_space<semaphore_mem>> -> memref<!tpu.dma_semaphore, #tpu.memory_space<semaphore_mem>>
    tpu.enqueue_indirect_dma source(%dma_start3A_155 : memref<1000001x128xf32, #tpu.memory_space<hbm>>) target(%dma_start3A_149 : memref<128x128xf32, #tpu.memory_space<vmem>>) offsets(%dma_start3A_152 : memref<128xi32, #tpu.memory_space<vmem>>) semaphore(%dma_start3A_157 : memref<!tpu.dma_semaphore, #tpu.memory_space<semaphore_mem>>)
    %dma_wait3A_158 = arith.constant 3 : i32
    %dma_wait3A_159 = arith.constant 3 : i32
    %dma_wait3A_160 = arith.constant 0 : i32
    %dma_wait3A_161 = tpu.memref_slice %arg5[%dma_wait3A_158, %dma_wait3A_160] : memref<5x128xi32, #tpu.memory_space<vmem>> -> memref<1x128xi32, #tpu.memory_space<vmem>>
    %dma_wait3A_162 = tpu.memref_squeeze %dma_wait3A_161 : memref<1x128xi32, #tpu.memory_space<vmem>> -> memref<128xi32, #tpu.memory_space<vmem>>
    %dma_wait3A_163 = arith.constant 0 : i32
    %dma_wait3A_164 = tpu.memref_slice %arg2[%dma_wait3A_163] : memref<819200xi32, #tpu.memory_space<hbm>> -> memref<128xi32, #tpu.memory_space<hbm>>
    %dma_wait3A_165 = tpu.memref_slice %arg7[%dma_wait3A_159] : memref<5x!tpu.dma_semaphore, #tpu.memory_space<semaphore_mem>> -> memref<1x!tpu.dma_semaphore, #tpu.memory_space<semaphore_mem>>
    %dma_wait3A_166 = tpu.memref_squeeze %dma_wait3A_165 : memref<1x!tpu.dma_semaphore, #tpu.memory_space<semaphore_mem>> -> memref<!tpu.dma_semaphore, #tpu.memory_space<semaphore_mem>>
    %dma_wait3A_167 = arith.constant 0 : i32
    %dma_wait3A_168 = tpu.memref_slice %arg5[%dma_wait3A_158, %dma_wait3A_167] : memref<5x128xi32, #tpu.memory_space<vmem>> -> memref<1x128xi32, #tpu.memory_space<vmem>>
    %dma_wait3A_169 = tpu.memref_squeeze %dma_wait3A_168 : memref<1x128xi32, #tpu.memory_space<vmem>> -> memref<128xi32, #tpu.memory_space<vmem>>
    %dma_wait3A_170 = arith.constant 0 : i32
    %dma_wait3A_171 = tpu.memref_slice %arg2[%dma_wait3A_170] : memref<819200xi32, #tpu.memory_space<hbm>> -> memref<128xi32, #tpu.memory_space<hbm>>
    tpu.wait_dma2 semaphore(%dma_wait3A_166 : memref<!tpu.dma_semaphore, #tpu.memory_space<semaphore_mem>>) src(%dma_wait3A_171 : memref<128xi32, #tpu.memory_space<hbm>>) dst(%dma_wait3A_169 : memref<128xi32, #tpu.memory_space<vmem>>)
    %dma_start3A_172 = arith.constant 3 : i32
    %dma_start3A_173 = arith.constant 3 : i32
    %dma_start3A_174 = arith.constant 3 : i32
    %dma_start3A_175 = arith.constant 0 : i32
    %dma_start3A_176 = arith.constant 0 : i32
    %dma_start3A_177 = tpu.memref_slice %arg6[%dma_start3A_173, %dma_start3A_175, %dma_start3A_176] : memref<5x128x128xf32, #tpu.memory_space<vmem>> -> memref<1x128x128xf32, #tpu.memory_space<vmem>>
    %dma_start3A_178 = tpu.memref_squeeze %dma_start3A_177 : memref<1x128x128xf32, #tpu.memory_space<vmem>> -> memref<128x128xf32, #tpu.memory_space<vmem>>
    %dma_start3A_179 = arith.constant 0 : i32
    %dma_start3A_180 = tpu.memref_slice %arg5[%dma_start3A_172, %dma_start3A_179] : memref<5x128xi32, #tpu.memory_space<vmem>> -> memref<1x128xi32, #tpu.memory_space<vmem>>
    %dma_start3A_181 = tpu.memref_squeeze %dma_start3A_180 : memref<1x128xi32, #tpu.memory_space<vmem>> -> memref<128xi32, #tpu.memory_space<vmem>>
    %dma_start3A_182 = arith.constant 0 : i32
    %dma_start3A_183 = arith.constant 0 : i32
    %dma_start3A_184 = tpu.memref_slice %arg3[%dma_start3A_182, %dma_start3A_183] : memref<1000001x128xf32, #tpu.memory_space<hbm>> -> memref<1000001x128xf32, #tpu.memory_space<hbm>>
    %dma_start3A_185 = tpu.memref_slice %arg8[%dma_start3A_174] : memref<5x!tpu.dma_semaphore, #tpu.memory_space<semaphore_mem>> -> memref<1x!tpu.dma_semaphore, #tpu.memory_space<semaphore_mem>>
    %dma_start3A_186 = tpu.memref_squeeze %dma_start3A_185 : memref<1x!tpu.dma_semaphore, #tpu.memory_space<semaphore_mem>> -> memref<!tpu.dma_semaphore, #tpu.memory_space<semaphore_mem>>
    tpu.enqueue_indirect_dma source(%dma_start3A_184 : memref<1000001x128xf32, #tpu.memory_space<hbm>>) target(%dma_start3A_178 : memref<128x128xf32, #tpu.memory_space<vmem>>) offsets(%dma_start3A_181 : memref<128xi32, #tpu.memory_space<vmem>>) semaphore(%dma_start3A_186 : memref<!tpu.dma_semaphore, #tpu.memory_space<semaphore_mem>>)
    %dma_wait3A_187 = arith.constant 4 : i32
    %dma_wait3A_188 = arith.constant 4 : i32
    %dma_wait3A_189 = arith.constant 0 : i32
    %dma_wait3A_190 = tpu.memref_slice %arg5[%dma_wait3A_187, %dma_wait3A_189] : memref<5x128xi32, #tpu.memory_space<vmem>> -> memref<1x128xi32, #tpu.memory_space<vmem>>
    %dma_wait3A_191 = tpu.memref_squeeze %dma_wait3A_190 : memref<1x128xi32, #tpu.memory_space<vmem>> -> memref<128xi32, #tpu.memory_space<vmem>>
    %dma_wait3A_192 = arith.constant 0 : i32
    %dma_wait3A_193 = tpu.memref_slice %arg2[%dma_wait3A_192] : memref<819200xi32, #tpu.memory_space<hbm>> -> memref<128xi32, #tpu.memory_space<hbm>>
    %dma_wait3A_194 = tpu.memref_slice %arg7[%dma_wait3A_188] : memref<5x!tpu.dma_semaphore, #tpu.memory_space<semaphore_mem>> -> memref<1x!tpu.dma_semaphore, #tpu.memory_space<semaphore_mem>>
    %dma_wait3A_195 = tpu.memref_squeeze %dma_wait3A_194 : memref<1x!tpu.dma_semaphore, #tpu.memory_space<semaphore_mem>> -> memref<!tpu.dma_semaphore, #tpu.memory_space<semaphore_mem>>
    %dma_wait3A_196 = arith.constant 0 : i32
    %dma_wait3A_197 = tpu.memref_slice %arg5[%dma_wait3A_187, %dma_wait3A_196] : memref<5x128xi32, #tpu.memory_space<vmem>> -> memref<1x128xi32, #tpu.memory_space<vmem>>
    %dma_wait3A_198 = tpu.memref_squeeze %dma_wait3A_197 : memref<1x128xi32, #tpu.memory_space<vmem>> -> memref<128xi32, #tpu.memory_space<vmem>>
    %dma_wait3A_199 = arith.constant 0 : i32
    %dma_wait3A_200 = tpu.memref_slice %arg2[%dma_wait3A_199] : memref<819200xi32, #tpu.memory_space<hbm>> -> memref<128xi32, #tpu.memory_space<hbm>>
    tpu.wait_dma2 semaphore(%dma_wait3A_195 : memref<!tpu.dma_semaphore, #tpu.memory_space<semaphore_mem>>) src(%dma_wait3A_200 : memref<128xi32, #tpu.memory_space<hbm>>) dst(%dma_wait3A_198 : memref<128xi32, #tpu.memory_space<vmem>>)
    %dma_start3A_201 = arith.constant 4 : i32
    %dma_start3A_202 = arith.constant 4 : i32
    %dma_start3A_203 = arith.constant 4 : i32
    %dma_start3A_204 = arith.constant 0 : i32
    %dma_start3A_205 = arith.constant 0 : i32
    %dma_start3A_206 = tpu.memref_slice %arg6[%dma_start3A_202, %dma_start3A_204, %dma_start3A_205] : memref<5x128x128xf32, #tpu.memory_space<vmem>> -> memref<1x128x128xf32, #tpu.memory_space<vmem>>
    %dma_start3A_207 = tpu.memref_squeeze %dma_start3A_206 : memref<1x128x128xf32, #tpu.memory_space<vmem>> -> memref<128x128xf32, #tpu.memory_space<vmem>>
    %dma_start3A_208 = arith.constant 0 : i32
    %dma_start3A_209 = tpu.memref_slice %arg5[%dma_start3A_201, %dma_start3A_208] : memref<5x128xi32, #tpu.memory_space<vmem>> -> memref<1x128xi32, #tpu.memory_space<vmem>>
    %dma_start3A_210 = tpu.memref_squeeze %dma_start3A_209 : memref<1x128xi32, #tpu.memory_space<vmem>> -> memref<128xi32, #tpu.memory_space<vmem>>
    %dma_start3A_211 = arith.constant 0 : i32
    %dma_start3A_212 = arith.constant 0 : i32
    %dma_start3A_213 = tpu.memref_slice %arg3[%dma_start3A_211, %dma_start3A_212] : memref<1000001x128xf32, #tpu.memory_space<hbm>> -> memref<1000001x128xf32, #tpu.memory_space<hbm>>
    %dma_start3A_214 = tpu.memref_slice %arg8[%dma_start3A_203] : memref<5x!tpu.dma_semaphore, #tpu.memory_space<semaphore_mem>> -> memref<1x!tpu.dma_semaphore, #tpu.memory_space<semaphore_mem>>
    %dma_start3A_215 = tpu.memref_squeeze %dma_start3A_214 : memref<1x!tpu.dma_semaphore, #tpu.memory_space<semaphore_mem>> -> memref<!tpu.dma_semaphore, #tpu.memory_space<semaphore_mem>>
    tpu.enqueue_indirect_dma source(%dma_start3A_213 : memref<1000001x128xf32, #tpu.memory_space<hbm>>) target(%dma_start3A_207 : memref<128x128xf32, #tpu.memory_space<vmem>>) offsets(%dma_start3A_210 : memref<128xi32, #tpu.memory_space<vmem>>) semaphore(%dma_start3A_215 : memref<!tpu.dma_semaphore, #tpu.memory_space<semaphore_mem>>)
    %dma_wait3A_216 = arith.constant 0 : i32
    %dma_wait3A_217 = arith.constant 0 : i32
    %dma_wait3A_218 = arith.constant 0 : i32
    %dma_wait3A_219 = arith.constant 0 : i32
    %dma_wait3A_220 = arith.constant 0 : i32
    %dma_wait3A_221 = tpu.memref_slice %arg6[%dma_wait3A_217, %dma_wait3A_219, %dma_wait3A_220] : memref<5x128x128xf32, #tpu.memory_space<vmem>> -> memref<1x128x128xf32, #tpu.memory_space<vmem>>
    %dma_wait3A_222 = tpu.memref_squeeze %dma_wait3A_221 : memref<1x128x128xf32, #tpu.memory_space<vmem>> -> memref<128x128xf32, #tpu.memory_space<vmem>>
    %dma_wait3A_223 = arith.constant 0 : i32
    %dma_wait3A_224 = tpu.memref_slice %arg5[%dma_wait3A_216, %dma_wait3A_223] : memref<5x128xi32, #tpu.memory_space<vmem>> -> memref<1x128xi32, #tpu.memory_space<vmem>>
    %dma_wait3A_225 = tpu.memref_squeeze %dma_wait3A_224 : memref<1x128xi32, #tpu.memory_space<vmem>> -> memref<128xi32, #tpu.memory_space<vmem>>
    %dma_wait3A_226 = arith.constant 0 : i32
    %dma_wait3A_227 = arith.constant 0 : i32
    %dma_wait3A_228 = tpu.memref_slice %arg3[%dma_wait3A_226, %dma_wait3A_227] : memref<1000001x128xf32, #tpu.memory_space<hbm>> -> memref<1000001x128xf32, #tpu.memory_space<hbm>>
    %dma_wait3A_229 = tpu.memref_slice %arg8[%dma_wait3A_218] : memref<5x!tpu.dma_semaphore, #tpu.memory_space<semaphore_mem>> -> memref<1x!tpu.dma_semaphore, #tpu.memory_space<semaphore_mem>>
    %dma_wait3A_230 = tpu.memref_squeeze %dma_wait3A_229 : memref<1x!tpu.dma_semaphore, #tpu.memory_space<semaphore_mem>> -> memref<!tpu.dma_semaphore, #tpu.memory_space<semaphore_mem>>
    tpu.wait_indirect_dma semaphore(%dma_wait3A_230 : memref<!tpu.dma_semaphore, #tpu.memory_space<semaphore_mem>>) src(%dma_wait3A_228 : memref<1000001x128xf32, #tpu.memory_space<hbm>>) dst(%dma_wait3A_222 : memref<128x128xf32, #tpu.memory_space<vmem>>)
    %add3A_231 = arith.constant 0 : i32
    %add3A_232 = arith.addi %mul3A_2, %add3A_231 : i32
    %dma_start3A_233 = arith.constant 0 : i32
    %dma_start3A_234 = arith.constant 0 : i32
    %dma_start3A_235 = arith.constant 0 : i32
    %dma_start3A_236 = arith.constant 0 : i32
    %dma_start3A_237 = tpu.memref_slice %arg6[%dma_start3A_233, %dma_start3A_235, %dma_start3A_236] : memref<5x128x128xf32, #tpu.memory_space<vmem>> -> memref<1x128x64xf32, #tpu.memory_space<vmem>>
    %dma_start3A_238 = tpu.memref_squeeze %dma_start3A_237 : memref<1x128x64xf32, #tpu.memory_space<vmem>> -> memref<128x64xf32, #tpu.memory_space<vmem>>
    %dma_start3A_239 = arith.constant 0 : i32
    %dma_start3A_240 = tpu.memref_slice %arg4[%add3A_232, %dma_start3A_239] : memref<819200x128xf32, #tpu.memory_space<hbm>> -> memref<128x64xf32, #tpu.memory_space<hbm>>
    %dma_start3A_241 = tpu.memref_slice %arg9[%dma_start3A_234] : memref<5x!tpu.dma_semaphore, #tpu.memory_space<semaphore_mem>> -> memref<1x!tpu.dma_semaphore, #tpu.memory_space<semaphore_mem>>
    %dma_start3A_242 = tpu.memref_squeeze %dma_start3A_241 : memref<1x!tpu.dma_semaphore, #tpu.memory_space<semaphore_mem>> -> memref<!tpu.dma_semaphore, #tpu.memory_space<semaphore_mem>>
    %dma_start3A_243 = arith.constant 0 : i32
    %dma_start3A_244 = tpu.memref_slice %arg4[%add3A_232, %dma_start3A_243] : memref<819200x128xf32, #tpu.memory_space<hbm>> -> memref<128x64xf32, #tpu.memory_space<hbm>>
    %dma_start3A_245 = arith.constant 0 : i32
    %dma_start3A_246 = arith.constant 0 : i32
    %dma_start3A_247 = tpu.memref_slice %arg6[%dma_start3A_233, %dma_start3A_245, %dma_start3A_246] : memref<5x128x128xf32, #tpu.memory_space<vmem>> -> memref<1x128x64xf32, #tpu.memory_space<vmem>>
    %dma_start3A_248 = tpu.memref_squeeze %dma_start3A_247 : memref<1x128x64xf32, #tpu.memory_space<vmem>> -> memref<128x64xf32, #tpu.memory_space<vmem>>
    tpu.enqueue_dma source(%dma_start3A_248 : memref<128x64xf32, #tpu.memory_space<vmem>>) target(%dma_start3A_244 : memref<128x64xf32, #tpu.memory_space<hbm>>) target_semaphore(%dma_start3A_242 : memref<!tpu.dma_semaphore, #tpu.memory_space<semaphore_mem>>)
    %add3A_249 = arith.constant 640 : i32
    %add3A_250 = arith.addi %mul3A_2, %add3A_249 : i32
    %dma_start3A_251 = arith.constant 0 : i32
    %dma_start3A_252 = arith.constant 0 : i32
    %dma_start3A_253 = arith.constant 0 : i32
    %dma_start3A_254 = tpu.memref_slice %arg5[%dma_start3A_251, %dma_start3A_253] : memref<5x128xi32, #tpu.memory_space<vmem>> -> memref<1x128xi32, #tpu.memory_space<vmem>>
    %dma_start3A_255 = tpu.memref_squeeze %dma_start3A_254 : memref<1x128xi32, #tpu.memory_space<vmem>> -> memref<128xi32, #tpu.memory_space<vmem>>
    %dma_start3A_256 = tpu.memref_slice %arg2[%add3A_250] : memref<819200xi32, #tpu.memory_space<hbm>> -> memref<128xi32, #tpu.memory_space<hbm>>
    %dma_start3A_257 = tpu.memref_slice %arg7[%dma_start3A_252] : memref<5x!tpu.dma_semaphore, #tpu.memory_space<semaphore_mem>> -> memref<1x!tpu.dma_semaphore, #tpu.memory_space<semaphore_mem>>
    %dma_start3A_258 = tpu.memref_squeeze %dma_start3A_257 : memref<1x!tpu.dma_semaphore, #tpu.memory_space<semaphore_mem>> -> memref<!tpu.dma_semaphore, #tpu.memory_space<semaphore_mem>>
    %dma_start3A_259 = arith.constant 0 : i32
    %dma_start3A_260 = tpu.memref_slice %arg5[%dma_start3A_251, %dma_start3A_259] : memref<5x128xi32, #tpu.memory_space<vmem>> -> memref<1x128xi32, #tpu.memory_space<vmem>>
    %dma_start3A_261 = tpu.memref_squeeze %dma_start3A_260 : memref<1x128xi32, #tpu.memory_space<vmem>> -> memref<128xi32, #tpu.memory_space<vmem>>
    %dma_start3A_262 = tpu.memref_slice %arg2[%add3A_250] : memref<819200xi32, #tpu.memory_space<hbm>> -> memref<128xi32, #tpu.memory_space<hbm>>
    tpu.enqueue_dma source(%dma_start3A_262 : memref<128xi32, #tpu.memory_space<hbm>>) target(%dma_start3A_261 : memref<128xi32, #tpu.memory_space<vmem>>) target_semaphore(%dma_start3A_258 : memref<!tpu.dma_semaphore, #tpu.memory_space<semaphore_mem>>)
    %scan3A = arith.constant 0 : i32
    %scan3A_263 = arith.constant 1 : i32
    %scan3A_264 = arith.constant 39 : i32
    %scan3A_265 = arith.addi %scan3A_263, %scan3A_264 : i32
    %scan3A_266 = arith.constant 1 : i32
    scf.for %scan3A_490 = %scan3A_263 to %scan3A_265 step %scan3A_266  : i32 {
      %mul3A_491 = arith.constant 5 : i32
      %mul3A_492 = arith.muli %scan3A_490, %mul3A_491 : i32
      %add3A_493 = arith.constant 0 : i32
      %add3A_494 = arith.addi %mul3A_492, %add3A_493 : i32
      %dma_wait3A_495 = arith.constant 0 : i32
      %dma_wait3A_496 = arith.constant 0 : i32
      %dma_wait3A_497 = arith.constant 0 : i32
      %dma_wait3A_498 = arith.constant 0 : i32
      %dma_wait3A_499 = tpu.memref_slice %arg6[%dma_wait3A_495, %dma_wait3A_497, %dma_wait3A_498] : memref<5x128x128xf32, #tpu.memory_space<vmem>> -> memref<1x128x64xf32, #tpu.memory_space<vmem>>
      %dma_wait3A_500 = tpu.memref_squeeze %dma_wait3A_499 : memref<1x128x64xf32, #tpu.memory_space<vmem>> -> memref<128x64xf32, #tpu.memory_space<vmem>>
      %dma_wait3A_501 = arith.constant 0 : i32
      %dma_wait3A_502 = arith.constant 0 : i32
      %dma_wait3A_503 = tpu.memref_slice %arg4[%dma_wait3A_501, %dma_wait3A_502] : memref<819200x128xf32, #tpu.memory_space<hbm>> -> memref<128x64xf32, #tpu.memory_space<hbm>>
      %dma_wait3A_504 = tpu.memref_slice %arg9[%dma_wait3A_496] : memref<5x!tpu.dma_semaphore, #tpu.memory_space<semaphore_mem>> -> memref<1x!tpu.dma_semaphore, #tpu.memory_space<semaphore_mem>>
      %dma_wait3A_505 = tpu.memref_squeeze %dma_wait3A_504 : memref<1x!tpu.dma_semaphore, #tpu.memory_space<semaphore_mem>> -> memref<!tpu.dma_semaphore, #tpu.memory_space<semaphore_mem>>
      %dma_wait3A_506 = arith.constant 0 : i32
      %dma_wait3A_507 = arith.constant 0 : i32
      %dma_wait3A_508 = tpu.memref_slice %arg4[%dma_wait3A_506, %dma_wait3A_507] : memref<819200x128xf32, #tpu.memory_space<hbm>> -> memref<128x64xf32, #tpu.memory_space<hbm>>
      %dma_wait3A_509 = arith.constant 0 : i32
      %dma_wait3A_510 = arith.constant 0 : i32
      %dma_wait3A_511 = tpu.memref_slice %arg6[%dma_wait3A_495, %dma_wait3A_509, %dma_wait3A_510] : memref<5x128x128xf32, #tpu.memory_space<vmem>> -> memref<1x128x64xf32, #tpu.memory_space<vmem>>
      %dma_wait3A_512 = tpu.memref_squeeze %dma_wait3A_511 : memref<1x128x64xf32, #tpu.memory_space<vmem>> -> memref<128x64xf32, #tpu.memory_space<vmem>>
      tpu.wait_dma2 semaphore(%dma_wait3A_505 : memref<!tpu.dma_semaphore, #tpu.memory_space<semaphore_mem>>) src(%dma_wait3A_512 : memref<128x64xf32, #tpu.memory_space<vmem>>) dst(%dma_wait3A_508 : memref<128x64xf32, #tpu.memory_space<hbm>>)
      %dma_wait3A_513 = arith.constant 0 : i32
      %dma_wait3A_514 = arith.constant 0 : i32
      %dma_wait3A_515 = arith.constant 0 : i32
      %dma_wait3A_516 = tpu.memref_slice %arg5[%dma_wait3A_513, %dma_wait3A_515] : memref<5x128xi32, #tpu.memory_space<vmem>> -> memref<1x128xi32, #tpu.memory_space<vmem>>
      %dma_wait3A_517 = tpu.memref_squeeze %dma_wait3A_516 : memref<1x128xi32, #tpu.memory_space<vmem>> -> memref<128xi32, #tpu.memory_space<vmem>>
      %dma_wait3A_518 = arith.constant 0 : i32
      %dma_wait3A_519 = tpu.memref_slice %arg2[%dma_wait3A_518] : memref<819200xi32, #tpu.memory_space<hbm>> -> memref<128xi32, #tpu.memory_space<hbm>>
      %dma_wait3A_520 = tpu.memref_slice %arg7[%dma_wait3A_514] : memref<5x!tpu.dma_semaphore, #tpu.memory_space<semaphore_mem>> -> memref<1x!tpu.dma_semaphore, #tpu.memory_space<semaphore_mem>>
      %dma_wait3A_521 = tpu.memref_squeeze %dma_wait3A_520 : memref<1x!tpu.dma_semaphore, #tpu.memory_space<semaphore_mem>> -> memref<!tpu.dma_semaphore, #tpu.memory_space<semaphore_mem>>
      %dma_wait3A_522 = arith.constant 0 : i32
      %dma_wait3A_523 = tpu.memref_slice %arg5[%dma_wait3A_513, %dma_wait3A_522] : memref<5x128xi32, #tpu.memory_space<vmem>> -> memref<1x128xi32, #tpu.memory_space<vmem>>
      %dma_wait3A_524 = tpu.memref_squeeze %dma_wait3A_523 : memref<1x128xi32, #tpu.memory_space<vmem>> -> memref<128xi32, #tpu.memory_space<vmem>>
      %dma_wait3A_525 = arith.constant 0 : i32
      %dma_wait3A_526 = tpu.memref_slice %arg2[%dma_wait3A_525] : memref<819200xi32, #tpu.memory_space<hbm>> -> memref<128xi32, #tpu.memory_space<hbm>>
      tpu.wait_dma2 semaphore(%dma_wait3A_521 : memref<!tpu.dma_semaphore, #tpu.memory_space<semaphore_mem>>) src(%dma_wait3A_526 : memref<128xi32, #tpu.memory_space<hbm>>) dst(%dma_wait3A_524 : memref<128xi32, #tpu.memory_space<vmem>>)
      %dma_start3A_527 = arith.constant 0 : i32
      %dma_start3A_528 = arith.constant 0 : i32
      %dma_start3A_529 = arith.constant 0 : i32
      %dma_start3A_530 = arith.constant 0 : i32
      %dma_start3A_531 = arith.constant 0 : i32
      %dma_start3A_532 = tpu.memref_slice %arg6[%dma_start3A_528, %dma_start3A_530, %dma_start3A_531] : memref<5x128x128xf32, #tpu.memory_space<vmem>> -> memref<1x128x128xf32, #tpu.memory_space<vmem>>
      %dma_start3A_533 = tpu.memref_squeeze %dma_start3A_532 : memref<1x128x128xf32, #tpu.memory_space<vmem>> -> memref<128x128xf32, #tpu.memory_space<vmem>>
      %dma_start3A_534 = arith.constant 0 : i32
      %dma_start3A_535 = tpu.memref_slice %arg5[%dma_start3A_527, %dma_start3A_534] : memref<5x128xi32, #tpu.memory_space<vmem>> -> memref<1x128xi32, #tpu.memory_space<vmem>>
      %dma_start3A_536 = tpu.memref_squeeze %dma_start3A_535 : memref<1x128xi32, #tpu.memory_space<vmem>> -> memref<128xi32, #tpu.memory_space<vmem>>
      %dma_start3A_537 = arith.constant 0 : i32
      %dma_start3A_538 = arith.constant 0 : i32
      %dma_start3A_539 = tpu.memref_slice %arg3[%dma_start3A_537, %dma_start3A_538] : memref<1000001x128xf32, #tpu.memory_space<hbm>> -> memref<1000001x128xf32, #tpu.memory_space<hbm>>
      %dma_start3A_540 = tpu.memref_slice %arg8[%dma_start3A_529] : memref<5x!tpu.dma_semaphore, #tpu.memory_space<semaphore_mem>> -> memref<1x!tpu.dma_semaphore, #tpu.memory_space<semaphore_mem>>
      %dma_start3A_541 = tpu.memref_squeeze %dma_start3A_540 : memref<1x!tpu.dma_semaphore, #tpu.memory_space<semaphore_mem>> -> memref<!tpu.dma_semaphore, #tpu.memory_space<semaphore_mem>>
      tpu.enqueue_indirect_dma source(%dma_start3A_539 : memref<1000001x128xf32, #tpu.memory_space<hbm>>) target(%dma_start3A_533 : memref<128x128xf32, #tpu.memory_space<vmem>>) offsets(%dma_start3A_536 : memref<128xi32, #tpu.memory_space<vmem>>) semaphore(%dma_start3A_541 : memref<!tpu.dma_semaphore, #tpu.memory_space<semaphore_mem>>)
      %sub3A = arith.constant 4 : i32
      %sub3A_542 = arith.subi %add3A_494, %sub3A : i32
      %dma_wait3A_543 = arith.constant 1 : i32
      %dma_wait3A_544 = arith.constant 1 : i32
      %dma_wait3A_545 = arith.constant 1 : i32
      %dma_wait3A_546 = arith.constant 0 : i32
      %dma_wait3A_547 = arith.constant 0 : i32
      %dma_wait3A_548 = tpu.memref_slice %arg6[%dma_wait3A_544, %dma_wait3A_546, %dma_wait3A_547] : memref<5x128x128xf32, #tpu.memory_space<vmem>> -> memref<1x128x128xf32, #tpu.memory_space<vmem>>
      %dma_wait3A_549 = tpu.memref_squeeze %dma_wait3A_548 : memref<1x128x128xf32, #tpu.memory_space<vmem>> -> memref<128x128xf32, #tpu.memory_space<vmem>>
      %dma_wait3A_550 = arith.constant 0 : i32
      %dma_wait3A_551 = tpu.memref_slice %arg5[%dma_wait3A_543, %dma_wait3A_550] : memref<5x128xi32, #tpu.memory_space<vmem>> -> memref<1x128xi32, #tpu.memory_space<vmem>>
      %dma_wait3A_552 = tpu.memref_squeeze %dma_wait3A_551 : memref<1x128xi32, #tpu.memory_space<vmem>> -> memref<128xi32, #tpu.memory_space<vmem>>
      %dma_wait3A_553 = arith.constant 0 : i32
      %dma_wait3A_554 = arith.constant 0 : i32
      %dma_wait3A_555 = tpu.memref_slice %arg3[%dma_wait3A_553, %dma_wait3A_554] : memref<1000001x128xf32, #tpu.memory_space<hbm>> -> memref<1000001x128xf32, #tpu.memory_space<hbm>>
      %dma_wait3A_556 = tpu.memref_slice %arg8[%dma_wait3A_545] : memref<5x!tpu.dma_semaphore, #tpu.memory_space<semaphore_mem>> -> memref<1x!tpu.dma_semaphore, #tpu.memory_space<semaphore_mem>>
      %dma_wait3A_557 = tpu.memref_squeeze %dma_wait3A_556 : memref<1x!tpu.dma_semaphore, #tpu.memory_space<semaphore_mem>> -> memref<!tpu.dma_semaphore, #tpu.memory_space<semaphore_mem>>
      tpu.wait_indirect_dma semaphore(%dma_wait3A_557 : memref<!tpu.dma_semaphore, #tpu.memory_space<semaphore_mem>>) src(%dma_wait3A_555 : memref<1000001x128xf32, #tpu.memory_space<hbm>>) dst(%dma_wait3A_549 : memref<128x128xf32, #tpu.memory_space<vmem>>)
      %mul3A_558 = arith.constant 128 : i32
      %mul3A_559 = arith.muli %sub3A_542, %mul3A_558 : i32
      %add3A_560 = arith.addi %mul3A_2, %mul3A_559 : i32
      %dma_start3A_561 = arith.constant 1 : i32
      %dma_start3A_562 = arith.constant 1 : i32
      %dma_start3A_563 = arith.constant 0 : i32
      %dma_start3A_564 = arith.constant 0 : i32
      %dma_start3A_565 = tpu.memref_slice %arg6[%dma_start3A_561, %dma_start3A_563, %dma_start3A_564] : memref<5x128x128xf32, #tpu.memory_space<vmem>> -> memref<1x128x64xf32, #tpu.memory_space<vmem>>
      %dma_start3A_566 = tpu.memref_squeeze %dma_start3A_565 : memref<1x128x64xf32, #tpu.memory_space<vmem>> -> memref<128x64xf32, #tpu.memory_space<vmem>>
      %dma_start3A_567 = arith.constant 0 : i32
      %dma_start3A_568 = tpu.memref_slice %arg4[%add3A_560, %dma_start3A_567] : memref<819200x128xf32, #tpu.memory_space<hbm>> -> memref<128x64xf32, #tpu.memory_space<hbm>>
      %dma_start3A_569 = tpu.memref_slice %arg9[%dma_start3A_562] : memref<5x!tpu.dma_semaphore, #tpu.memory_space<semaphore_mem>> -> memref<1x!tpu.dma_semaphore, #tpu.memory_space<semaphore_mem>>
      %dma_start3A_570 = tpu.memref_squeeze %dma_start3A_569 : memref<1x!tpu.dma_semaphore, #tpu.memory_space<semaphore_mem>> -> memref<!tpu.dma_semaphore, #tpu.memory_space<semaphore_mem>>
      %dma_start3A_571 = arith.constant 0 : i32
      %dma_start3A_572 = tpu.memref_slice %arg4[%add3A_560, %dma_start3A_571] : memref<819200x128xf32, #tpu.memory_space<hbm>> -> memref<128x64xf32, #tpu.memory_space<hbm>>
      %dma_start3A_573 = arith.constant 0 : i32
      %dma_start3A_574 = arith.constant 0 : i32
      %dma_start3A_575 = tpu.memref_slice %arg6[%dma_start3A_561, %dma_start3A_573, %dma_start3A_574] : memref<5x128x128xf32, #tpu.memory_space<vmem>> -> memref<1x128x64xf32, #tpu.memory_space<vmem>>
      %dma_start3A_576 = tpu.memref_squeeze %dma_start3A_575 : memref<1x128x64xf32, #tpu.memory_space<vmem>> -> memref<128x64xf32, #tpu.memory_space<vmem>>
      tpu.enqueue_dma source(%dma_start3A_576 : memref<128x64xf32, #tpu.memory_space<vmem>>) target(%dma_start3A_572 : memref<128x64xf32, #tpu.memory_space<hbm>>) target_semaphore(%dma_start3A_570 : memref<!tpu.dma_semaphore, #tpu.memory_space<semaphore_mem>>)
      %add3A_577 = arith.constant 5 : i32
      %add3A_578 = arith.addi %sub3A_542, %add3A_577 : i32
      %lt3A = arith.constant 200 : i32
      %lt3A_579 = arith.cmpi slt, %add3A_578, %lt3A : i32
      %convert_element_type3A = arith.extui %lt3A_579 : i1 to i32
      %cond3A = arith.constant 0 : i32
      %cond3A_580 = arith.cmpi ne, %convert_element_type3A, %cond3A : i32
      scf.if %cond3A_580 {
        %add3A_957 = arith.constant 5 : i32
        %add3A_958 = arith.addi %sub3A_542, %add3A_957 : i32
        %mul3A_959 = arith.constant 128 : i32
        %mul3A_960 = arith.muli %add3A_958, %mul3A_959 : i32
        %add3A_961 = arith.addi %mul3A_2, %mul3A_960 : i32
        %dma_start3A_962 = arith.constant 1 : i32
        %dma_start3A_963 = arith.constant 1 : i32
        %dma_start3A_964 = arith.constant 0 : i32
        %dma_start3A_965 = tpu.memref_slice %arg5[%dma_start3A_962, %dma_start3A_964] : memref<5x128xi32, #tpu.memory_space<vmem>> -> memref<1x128xi32, #tpu.memory_space<vmem>>
        %dma_start3A_966 = tpu.memref_squeeze %dma_start3A_965 : memref<1x128xi32, #tpu.memory_space<vmem>> -> memref<128xi32, #tpu.memory_space<vmem>>
        %dma_start3A_967 = tpu.memref_slice %arg2[%add3A_961] : memref<819200xi32, #tpu.memory_space<hbm>> -> memref<128xi32, #tpu.memory_space<hbm>>
        %dma_start3A_968 = tpu.memref_slice %arg7[%dma_start3A_963] : memref<5x!tpu.dma_semaphore, #tpu.memory_space<semaphore_mem>> -> memref<1x!tpu.dma_semaphore, #tpu.memory_space<semaphore_mem>>
        %dma_start3A_969 = tpu.memref_squeeze %dma_start3A_968 : memref<1x!tpu.dma_semaphore, #tpu.memory_space<semaphore_mem>> -> memref<!tpu.dma_semaphore, #tpu.memory_space<semaphore_mem>>
        %dma_start3A_970 = arith.constant 0 : i32
        %dma_start3A_971 = tpu.memref_slice %arg5[%dma_start3A_962, %dma_start3A_970] : memref<5x128xi32, #tpu.memory_space<vmem>> -> memref<1x128xi32, #tpu.memory_space<vmem>>
        %dma_start3A_972 = tpu.memref_squeeze %dma_start3A_971 : memref<1x128xi32, #tpu.memory_space<vmem>> -> memref<128xi32, #tpu.memory_space<vmem>>
        %dma_start3A_973 = tpu.memref_slice %arg2[%add3A_961] : memref<819200xi32, #tpu.memory_space<hbm>> -> memref<128xi32, #tpu.memory_space<hbm>>
        tpu.enqueue_dma source(%dma_start3A_973 : memref<128xi32, #tpu.memory_space<hbm>>) target(%dma_start3A_972 : memref<128xi32, #tpu.memory_space<vmem>>) target_semaphore(%dma_start3A_969 : memref<!tpu.dma_semaphore, #tpu.memory_space<semaphore_mem>>)
      } else {
      }
      %mul3A_581 = arith.constant 5 : i32
      %mul3A_582 = arith.muli %scan3A_490, %mul3A_581 : i32
      %add3A_583 = arith.constant 1 : i32
      %add3A_584 = arith.addi %mul3A_582, %add3A_583 : i32
      %dma_wait3A_585 = arith.constant 1 : i32
      %dma_wait3A_586 = arith.constant 1 : i32
      %dma_wait3A_587 = arith.constant 0 : i32
      %dma_wait3A_588 = arith.constant 0 : i32
      %dma_wait3A_589 = tpu.memref_slice %arg6[%dma_wait3A_585, %dma_wait3A_587, %dma_wait3A_588] : memref<5x128x128xf32, #tpu.memory_space<vmem>> -> memref<1x128x64xf32, #tpu.memory_space<vmem>>
      %dma_wait3A_590 = tpu.memref_squeeze %dma_wait3A_589 : memref<1x128x64xf32, #tpu.memory_space<vmem>> -> memref<128x64xf32, #tpu.memory_space<vmem>>
      %dma_wait3A_591 = arith.constant 0 : i32
      %dma_wait3A_592 = arith.constant 0 : i32
      %dma_wait3A_593 = tpu.memref_slice %arg4[%dma_wait3A_591, %dma_wait3A_592] : memref<819200x128xf32, #tpu.memory_space<hbm>> -> memref<128x64xf32, #tpu.memory_space<hbm>>
      %dma_wait3A_594 = tpu.memref_slice %arg9[%dma_wait3A_586] : memref<5x!tpu.dma_semaphore, #tpu.memory_space<semaphore_mem>> -> memref<1x!tpu.dma_semaphore, #tpu.memory_space<semaphore_mem>>
      %dma_wait3A_595 = tpu.memref_squeeze %dma_wait3A_594 : memref<1x!tpu.dma_semaphore, #tpu.memory_space<semaphore_mem>> -> memref<!tpu.dma_semaphore, #tpu.memory_space<semaphore_mem>>
      %dma_wait3A_596 = arith.constant 0 : i32
      %dma_wait3A_597 = arith.constant 0 : i32
      %dma_wait3A_598 = tpu.memref_slice %arg4[%dma_wait3A_596, %dma_wait3A_597] : memref<819200x128xf32, #tpu.memory_space<hbm>> -> memref<128x64xf32, #tpu.memory_space<hbm>>
      %dma_wait3A_599 = arith.constant 0 : i32
      %dma_wait3A_600 = arith.constant 0 : i32
      %dma_wait3A_601 = tpu.memref_slice %arg6[%dma_wait3A_585, %dma_wait3A_599, %dma_wait3A_600] : memref<5x128x128xf32, #tpu.memory_space<vmem>> -> memref<1x128x64xf32, #tpu.memory_space<vmem>>
      %dma_wait3A_602 = tpu.memref_squeeze %dma_wait3A_601 : memref<1x128x64xf32, #tpu.memory_space<vmem>> -> memref<128x64xf32, #tpu.memory_space<vmem>>
      tpu.wait_dma2 semaphore(%dma_wait3A_595 : memref<!tpu.dma_semaphore, #tpu.memory_space<semaphore_mem>>) src(%dma_wait3A_602 : memref<128x64xf32, #tpu.memory_space<vmem>>) dst(%dma_wait3A_598 : memref<128x64xf32, #tpu.memory_space<hbm>>)
      %dma_wait3A_603 = arith.constant 1 : i32
      %dma_wait3A_604 = arith.constant 1 : i32
      %dma_wait3A_605 = arith.constant 0 : i32
      %dma_wait3A_606 = tpu.memref_slice %arg5[%dma_wait3A_603, %dma_wait3A_605] : memref<5x128xi32, #tpu.memory_space<vmem>> -> memref<1x128xi32, #tpu.memory_space<vmem>>
      %dma_wait3A_607 = tpu.memref_squeeze %dma_wait3A_606 : memref<1x128xi32, #tpu.memory_space<vmem>> -> memref<128xi32, #tpu.memory_space<vmem>>
      %dma_wait3A_608 = arith.constant 0 : i32
      %dma_wait3A_609 = tpu.memref_slice %arg2[%dma_wait3A_608] : memref<819200xi32, #tpu.memory_space<hbm>> -> memref<128xi32, #tpu.memory_space<hbm>>
      %dma_wait3A_610 = tpu.memref_slice %arg7[%dma_wait3A_604] : memref<5x!tpu.dma_semaphore, #tpu.memory_space<semaphore_mem>> -> memref<1x!tpu.dma_semaphore, #tpu.memory_space<semaphore_mem>>
      %dma_wait3A_611 = tpu.memref_squeeze %dma_wait3A_610 : memref<1x!tpu.dma_semaphore, #tpu.memory_space<semaphore_mem>> -> memref<!tpu.dma_semaphore, #tpu.memory_space<semaphore_mem>>
      %dma_wait3A_612 = arith.constant 0 : i32
      %dma_wait3A_613 = tpu.memref_slice %arg5[%dma_wait3A_603, %dma_wait3A_612] : memref<5x128xi32, #tpu.memory_space<vmem>> -> memref<1x128xi32, #tpu.memory_space<vmem>>
      %dma_wait3A_614 = tpu.memref_squeeze %dma_wait3A_613 : memref<1x128xi32, #tpu.memory_space<vmem>> -> memref<128xi32, #tpu.memory_space<vmem>>
      %dma_wait3A_615 = arith.constant 0 : i32
      %dma_wait3A_616 = tpu.memref_slice %arg2[%dma_wait3A_615] : memref<819200xi32, #tpu.memory_space<hbm>> -> memref<128xi32, #tpu.memory_space<hbm>>
      tpu.wait_dma2 semaphore(%dma_wait3A_611 : memref<!tpu.dma_semaphore, #tpu.memory_space<semaphore_mem>>) src(%dma_wait3A_616 : memref<128xi32, #tpu.memory_space<hbm>>) dst(%dma_wait3A_614 : memref<128xi32, #tpu.memory_space<vmem>>)
      %dma_start3A_617 = arith.constant 1 : i32
      %dma_start3A_618 = arith.constant 1 : i32
      %dma_start3A_619 = arith.constant 1 : i32
      %dma_start3A_620 = arith.constant 0 : i32
      %dma_start3A_621 = arith.constant 0 : i32
      %dma_start3A_622 = tpu.memref_slice %arg6[%dma_start3A_618, %dma_start3A_620, %dma_start3A_621] : memref<5x128x128xf32, #tpu.memory_space<vmem>> -> memref<1x128x128xf32, #tpu.memory_space<vmem>>
      %dma_start3A_623 = tpu.memref_squeeze %dma_start3A_622 : memref<1x128x128xf32, #tpu.memory_space<vmem>> -> memref<128x128xf32, #tpu.memory_space<vmem>>
      %dma_start3A_624 = arith.constant 0 : i32
      %dma_start3A_625 = tpu.memref_slice %arg5[%dma_start3A_617, %dma_start3A_624] : memref<5x128xi32, #tpu.memory_space<vmem>> -> memref<1x128xi32, #tpu.memory_space<vmem>>
      %dma_start3A_626 = tpu.memref_squeeze %dma_start3A_625 : memref<1x128xi32, #tpu.memory_space<vmem>> -> memref<128xi32, #tpu.memory_space<vmem>>
      %dma_start3A_627 = arith.constant 0 : i32
      %dma_start3A_628 = arith.constant 0 : i32
      %dma_start3A_629 = tpu.memref_slice %arg3[%dma_start3A_627, %dma_start3A_628] : memref<1000001x128xf32, #tpu.memory_space<hbm>> -> memref<1000001x128xf32, #tpu.memory_space<hbm>>
      %dma_start3A_630 = tpu.memref_slice %arg8[%dma_start3A_619] : memref<5x!tpu.dma_semaphore, #tpu.memory_space<semaphore_mem>> -> memref<1x!tpu.dma_semaphore, #tpu.memory_space<semaphore_mem>>
      %dma_start3A_631 = tpu.memref_squeeze %dma_start3A_630 : memref<1x!tpu.dma_semaphore, #tpu.memory_space<semaphore_mem>> -> memref<!tpu.dma_semaphore, #tpu.memory_space<semaphore_mem>>
      tpu.enqueue_indirect_dma source(%dma_start3A_629 : memref<1000001x128xf32, #tpu.memory_space<hbm>>) target(%dma_start3A_623 : memref<128x128xf32, #tpu.memory_space<vmem>>) offsets(%dma_start3A_626 : memref<128xi32, #tpu.memory_space<vmem>>) semaphore(%dma_start3A_631 : memref<!tpu.dma_semaphore, #tpu.memory_space<semaphore_mem>>)
      %sub3A_632 = arith.constant 4 : i32
      %sub3A_633 = arith.subi %add3A_584, %sub3A_632 : i32
      %dma_wait3A_634 = arith.constant 2 : i32
      %dma_wait3A_635 = arith.constant 2 : i32
      %dma_wait3A_636 = arith.constant 2 : i32
      %dma_wait3A_637 = arith.constant 0 : i32
      %dma_wait3A_638 = arith.constant 0 : i32
      %dma_wait3A_639 = tpu.memref_slice %arg6[%dma_wait3A_635, %dma_wait3A_637, %dma_wait3A_638] : memref<5x128x128xf32, #tpu.memory_space<vmem>> -> memref<1x128x128xf32, #tpu.memory_space<vmem>>
      %dma_wait3A_640 = tpu.memref_squeeze %dma_wait3A_639 : memref<1x128x128xf32, #tpu.memory_space<vmem>> -> memref<128x128xf32, #tpu.memory_space<vmem>>
      %dma_wait3A_641 = arith.constant 0 : i32
      %dma_wait3A_642 = tpu.memref_slice %arg5[%dma_wait3A_634, %dma_wait3A_641] : memref<5x128xi32, #tpu.memory_space<vmem>> -> memref<1x128xi32, #tpu.memory_space<vmem>>
      %dma_wait3A_643 = tpu.memref_squeeze %dma_wait3A_642 : memref<1x128xi32, #tpu.memory_space<vmem>> -> memref<128xi32, #tpu.memory_space<vmem>>
      %dma_wait3A_644 = arith.constant 0 : i32
      %dma_wait3A_645 = arith.constant 0 : i32
      %dma_wait3A_646 = tpu.memref_slice %arg3[%dma_wait3A_644, %dma_wait3A_645] : memref<1000001x128xf32, #tpu.memory_space<hbm>> -> memref<1000001x128xf32, #tpu.memory_space<hbm>>
      %dma_wait3A_647 = tpu.memref_slice %arg8[%dma_wait3A_636] : memref<5x!tpu.dma_semaphore, #tpu.memory_space<semaphore_mem>> -> memref<1x!tpu.dma_semaphore, #tpu.memory_space<semaphore_mem>>
      %dma_wait3A_648 = tpu.memref_squeeze %dma_wait3A_647 : memref<1x!tpu.dma_semaphore, #tpu.memory_space<semaphore_mem>> -> memref<!tpu.dma_semaphore, #tpu.memory_space<semaphore_mem>>
      tpu.wait_indirect_dma semaphore(%dma_wait3A_648 : memref<!tpu.dma_semaphore, #tpu.memory_space<semaphore_mem>>) src(%dma_wait3A_646 : memref<1000001x128xf32, #tpu.memory_space<hbm>>) dst(%dma_wait3A_640 : memref<128x128xf32, #tpu.memory_space<vmem>>)
      %mul3A_649 = arith.constant 128 : i32
      %mul3A_650 = arith.muli %sub3A_633, %mul3A_649 : i32
      %add3A_651 = arith.addi %mul3A_2, %mul3A_650 : i32
      %dma_start3A_652 = arith.constant 2 : i32
      %dma_start3A_653 = arith.constant 2 : i32
      %dma_start3A_654 = arith.constant 0 : i32
      %dma_start3A_655 = arith.constant 0 : i32
      %dma_start3A_656 = tpu.memref_slice %arg6[%dma_start3A_652, %dma_start3A_654, %dma_start3A_655] : memref<5x128x128xf32, #tpu.memory_space<vmem>> -> memref<1x128x64xf32, #tpu.memory_space<vmem>>
      %dma_start3A_657 = tpu.memref_squeeze %dma_start3A_656 : memref<1x128x64xf32, #tpu.memory_space<vmem>> -> memref<128x64xf32, #tpu.memory_space<vmem>>
      %dma_start3A_658 = arith.constant 0 : i32
      %dma_start3A_659 = tpu.memref_slice %arg4[%add3A_651, %dma_start3A_658] : memref<819200x128xf32, #tpu.memory_space<hbm>> -> memref<128x64xf32, #tpu.memory_space<hbm>>
      %dma_start3A_660 = tpu.memref_slice %arg9[%dma_start3A_653] : memref<5x!tpu.dma_semaphore, #tpu.memory_space<semaphore_mem>> -> memref<1x!tpu.dma_semaphore, #tpu.memory_space<semaphore_mem>>
      %dma_start3A_661 = tpu.memref_squeeze %dma_start3A_660 : memref<1x!tpu.dma_semaphore, #tpu.memory_space<semaphore_mem>> -> memref<!tpu.dma_semaphore, #tpu.memory_space<semaphore_mem>>
      %dma_start3A_662 = arith.constant 0 : i32
      %dma_start3A_663 = tpu.memref_slice %arg4[%add3A_651, %dma_start3A_662] : memref<819200x128xf32, #tpu.memory_space<hbm>> -> memref<128x64xf32, #tpu.memory_space<hbm>>
      %dma_start3A_664 = arith.constant 0 : i32
      %dma_start3A_665 = arith.constant 0 : i32
      %dma_start3A_666 = tpu.memref_slice %arg6[%dma_start3A_652, %dma_start3A_664, %dma_start3A_665] : memref<5x128x128xf32, #tpu.memory_space<vmem>> -> memref<1x128x64xf32, #tpu.memory_space<vmem>>
      %dma_start3A_667 = tpu.memref_squeeze %dma_start3A_666 : memref<1x128x64xf32, #tpu.memory_space<vmem>> -> memref<128x64xf32, #tpu.memory_space<vmem>>
      tpu.enqueue_dma source(%dma_start3A_667 : memref<128x64xf32, #tpu.memory_space<vmem>>) target(%dma_start3A_663 : memref<128x64xf32, #tpu.memory_space<hbm>>) target_semaphore(%dma_start3A_661 : memref<!tpu.dma_semaphore, #tpu.memory_space<semaphore_mem>>)
      %add3A_668 = arith.constant 5 : i32
      %add3A_669 = arith.addi %sub3A_633, %add3A_668 : i32
      %lt3A_670 = arith.constant 200 : i32
      %lt3A_671 = arith.cmpi slt, %add3A_669, %lt3A_670 : i32
      %convert_element_type3A_672 = arith.extui %lt3A_671 : i1 to i32
      %cond3A_673 = arith.constant 0 : i32
      %cond3A_674 = arith.cmpi ne, %convert_element_type3A_672, %cond3A_673 : i32
      scf.if %cond3A_674 {
        %add3A_957 = arith.constant 5 : i32
        %add3A_958 = arith.addi %sub3A_633, %add3A_957 : i32
        %mul3A_959 = arith.constant 128 : i32
        %mul3A_960 = arith.muli %add3A_958, %mul3A_959 : i32
        %add3A_961 = arith.addi %mul3A_2, %mul3A_960 : i32
        %dma_start3A_962 = arith.constant 2 : i32
        %dma_start3A_963 = arith.constant 2 : i32
        %dma_start3A_964 = arith.constant 0 : i32
        %dma_start3A_965 = tpu.memref_slice %arg5[%dma_start3A_962, %dma_start3A_964] : memref<5x128xi32, #tpu.memory_space<vmem>> -> memref<1x128xi32, #tpu.memory_space<vmem>>
        %dma_start3A_966 = tpu.memref_squeeze %dma_start3A_965 : memref<1x128xi32, #tpu.memory_space<vmem>> -> memref<128xi32, #tpu.memory_space<vmem>>
        %dma_start3A_967 = tpu.memref_slice %arg2[%add3A_961] : memref<819200xi32, #tpu.memory_space<hbm>> -> memref<128xi32, #tpu.memory_space<hbm>>
        %dma_start3A_968 = tpu.memref_slice %arg7[%dma_start3A_963] : memref<5x!tpu.dma_semaphore, #tpu.memory_space<semaphore_mem>> -> memref<1x!tpu.dma_semaphore, #tpu.memory_space<semaphore_mem>>
        %dma_start3A_969 = tpu.memref_squeeze %dma_start3A_968 : memref<1x!tpu.dma_semaphore, #tpu.memory_space<semaphore_mem>> -> memref<!tpu.dma_semaphore, #tpu.memory_space<semaphore_mem>>
        %dma_start3A_970 = arith.constant 0 : i32
        %dma_start3A_971 = tpu.memref_slice %arg5[%dma_start3A_962, %dma_start3A_970] : memref<5x128xi32, #tpu.memory_space<vmem>> -> memref<1x128xi32, #tpu.memory_space<vmem>>
        %dma_start3A_972 = tpu.memref_squeeze %dma_start3A_971 : memref<1x128xi32, #tpu.memory_space<vmem>> -> memref<128xi32, #tpu.memory_space<vmem>>
        %dma_start3A_973 = tpu.memref_slice %arg2[%add3A_961] : memref<819200xi32, #tpu.memory_space<hbm>> -> memref<128xi32, #tpu.memory_space<hbm>>
        tpu.enqueue_dma source(%dma_start3A_973 : memref<128xi32, #tpu.memory_space<hbm>>) target(%dma_start3A_972 : memref<128xi32, #tpu.memory_space<vmem>>) target_semaphore(%dma_start3A_969 : memref<!tpu.dma_semaphore, #tpu.memory_space<semaphore_mem>>)
      } else {
      }
      %mul3A_675 = arith.constant 5 : i32
      %mul3A_676 = arith.muli %scan3A_490, %mul3A_675 : i32
      %add3A_677 = arith.constant 2 : i32
      %add3A_678 = arith.addi %mul3A_676, %add3A_677 : i32
      %dma_wait3A_679 = arith.constant 2 : i32
      %dma_wait3A_680 = arith.constant 2 : i32
      %dma_wait3A_681 = arith.constant 0 : i32
      %dma_wait3A_682 = arith.constant 0 : i32
      %dma_wait3A_683 = tpu.memref_slice %arg6[%dma_wait3A_679, %dma_wait3A_681, %dma_wait3A_682] : memref<5x128x128xf32, #tpu.memory_space<vmem>> -> memref<1x128x64xf32, #tpu.memory_space<vmem>>
      %dma_wait3A_684 = tpu.memref_squeeze %dma_wait3A_683 : memref<1x128x64xf32, #tpu.memory_space<vmem>> -> memref<128x64xf32, #tpu.memory_space<vmem>>
      %dma_wait3A_685 = arith.constant 0 : i32
      %dma_wait3A_686 = arith.constant 0 : i32
      %dma_wait3A_687 = tpu.memref_slice %arg4[%dma_wait3A_685, %dma_wait3A_686] : memref<819200x128xf32, #tpu.memory_space<hbm>> -> memref<128x64xf32, #tpu.memory_space<hbm>>
      %dma_wait3A_688 = tpu.memref_slice %arg9[%dma_wait3A_680] : memref<5x!tpu.dma_semaphore, #tpu.memory_space<semaphore_mem>> -> memref<1x!tpu.dma_semaphore, #tpu.memory_space<semaphore_mem>>
      %dma_wait3A_689 = tpu.memref_squeeze %dma_wait3A_688 : memref<1x!tpu.dma_semaphore, #tpu.memory_space<semaphore_mem>> -> memref<!tpu.dma_semaphore, #tpu.memory_space<semaphore_mem>>
      %dma_wait3A_690 = arith.constant 0 : i32
      %dma_wait3A_691 = arith.constant 0 : i32
      %dma_wait3A_692 = tpu.memref_slice %arg4[%dma_wait3A_690, %dma_wait3A_691] : memref<819200x128xf32, #tpu.memory_space<hbm>> -> memref<128x64xf32, #tpu.memory_space<hbm>>
      %dma_wait3A_693 = arith.constant 0 : i32
      %dma_wait3A_694 = arith.constant 0 : i32
      %dma_wait3A_695 = tpu.memref_slice %arg6[%dma_wait3A_679, %dma_wait3A_693, %dma_wait3A_694] : memref<5x128x128xf32, #tpu.memory_space<vmem>> -> memref<1x128x64xf32, #tpu.memory_space<vmem>>
      %dma_wait3A_696 = tpu.memref_squeeze %dma_wait3A_695 : memref<1x128x64xf32, #tpu.memory_space<vmem>> -> memref<128x64xf32, #tpu.memory_space<vmem>>
      tpu.wait_dma2 semaphore(%dma_wait3A_689 : memref<!tpu.dma_semaphore, #tpu.memory_space<semaphore_mem>>) src(%dma_wait3A_696 : memref<128x64xf32, #tpu.memory_space<vmem>>) dst(%dma_wait3A_692 : memref<128x64xf32, #tpu.memory_space<hbm>>)
      %dma_wait3A_697 = arith.constant 2 : i32
      %dma_wait3A_698 = arith.constant 2 : i32
      %dma_wait3A_699 = arith.constant 0 : i32
      %dma_wait3A_700 = tpu.memref_slice %arg5[%dma_wait3A_697, %dma_wait3A_699] : memref<5x128xi32, #tpu.memory_space<vmem>> -> memref<1x128xi32, #tpu.memory_space<vmem>>
      %dma_wait3A_701 = tpu.memref_squeeze %dma_wait3A_700 : memref<1x128xi32, #tpu.memory_space<vmem>> -> memref<128xi32, #tpu.memory_space<vmem>>
      %dma_wait3A_702 = arith.constant 0 : i32
      %dma_wait3A_703 = tpu.memref_slice %arg2[%dma_wait3A_702] : memref<819200xi32, #tpu.memory_space<hbm>> -> memref<128xi32, #tpu.memory_space<hbm>>
      %dma_wait3A_704 = tpu.memref_slice %arg7[%dma_wait3A_698] : memref<5x!tpu.dma_semaphore, #tpu.memory_space<semaphore_mem>> -> memref<1x!tpu.dma_semaphore, #tpu.memory_space<semaphore_mem>>
      %dma_wait3A_705 = tpu.memref_squeeze %dma_wait3A_704 : memref<1x!tpu.dma_semaphore, #tpu.memory_space<semaphore_mem>> -> memref<!tpu.dma_semaphore, #tpu.memory_space<semaphore_mem>>
      %dma_wait3A_706 = arith.constant 0 : i32
      %dma_wait3A_707 = tpu.memref_slice %arg5[%dma_wait3A_697, %dma_wait3A_706] : memref<5x128xi32, #tpu.memory_space<vmem>> -> memref<1x128xi32, #tpu.memory_space<vmem>>
      %dma_wait3A_708 = tpu.memref_squeeze %dma_wait3A_707 : memref<1x128xi32, #tpu.memory_space<vmem>> -> memref<128xi32, #tpu.memory_space<vmem>>
      %dma_wait3A_709 = arith.constant 0 : i32
      %dma_wait3A_710 = tpu.memref_slice %arg2[%dma_wait3A_709] : memref<819200xi32, #tpu.memory_space<hbm>> -> memref<128xi32, #tpu.memory_space<hbm>>
      tpu.wait_dma2 semaphore(%dma_wait3A_705 : memref<!tpu.dma_semaphore, #tpu.memory_space<semaphore_mem>>) src(%dma_wait3A_710 : memref<128xi32, #tpu.memory_space<hbm>>) dst(%dma_wait3A_708 : memref<128xi32, #tpu.memory_space<vmem>>)
      %dma_start3A_711 = arith.constant 2 : i32
      %dma_start3A_712 = arith.constant 2 : i32
      %dma_start3A_713 = arith.constant 2 : i32
      %dma_start3A_714 = arith.constant 0 : i32
      %dma_start3A_715 = arith.constant 0 : i32
      %dma_start3A_716 = tpu.memref_slice %arg6[%dma_start3A_712, %dma_start3A_714, %dma_start3A_715] : memref<5x128x128xf32, #tpu.memory_space<vmem>> -> memref<1x128x128xf32, #tpu.memory_space<vmem>>
      %dma_start3A_717 = tpu.memref_squeeze %dma_start3A_716 : memref<1x128x128xf32, #tpu.memory_space<vmem>> -> memref<128x128xf32, #tpu.memory_space<vmem>>
      %dma_start3A_718 = arith.constant 0 : i32
      %dma_start3A_719 = tpu.memref_slice %arg5[%dma_start3A_711, %dma_start3A_718] : memref<5x128xi32, #tpu.memory_space<vmem>> -> memref<1x128xi32, #tpu.memory_space<vmem>>
      %dma_start3A_720 = tpu.memref_squeeze %dma_start3A_719 : memref<1x128xi32, #tpu.memory_space<vmem>> -> memref<128xi32, #tpu.memory_space<vmem>>
      %dma_start3A_721 = arith.constant 0 : i32
      %dma_start3A_722 = arith.constant 0 : i32
      %dma_start3A_723 = tpu.memref_slice %arg3[%dma_start3A_721, %dma_start3A_722] : memref<1000001x128xf32, #tpu.memory_space<hbm>> -> memref<1000001x128xf32, #tpu.memory_space<hbm>>
      %dma_start3A_724 = tpu.memref_slice %arg8[%dma_start3A_713] : memref<5x!tpu.dma_semaphore, #tpu.memory_space<semaphore_mem>> -> memref<1x!tpu.dma_semaphore, #tpu.memory_space<semaphore_mem>>
      %dma_start3A_725 = tpu.memref_squeeze %dma_start3A_724 : memref<1x!tpu.dma_semaphore, #tpu.memory_space<semaphore_mem>> -> memref<!tpu.dma_semaphore, #tpu.memory_space<semaphore_mem>>
      tpu.enqueue_indirect_dma source(%dma_start3A_723 : memref<1000001x128xf32, #tpu.memory_space<hbm>>) target(%dma_start3A_717 : memref<128x128xf32, #tpu.memory_space<vmem>>) offsets(%dma_start3A_720 : memref<128xi32, #tpu.memory_space<vmem>>) semaphore(%dma_start3A_725 : memref<!tpu.dma_semaphore, #tpu.memory_space<semaphore_mem>>)
      %sub3A_726 = arith.constant 4 : i32
      %sub3A_727 = arith.subi %add3A_678, %sub3A_726 : i32
      %dma_wait3A_728 = arith.constant 3 : i32
      %dma_wait3A_729 = arith.constant 3 : i32
      %dma_wait3A_730 = arith.constant 3 : i32
      %dma_wait3A_731 = arith.constant 0 : i32
      %dma_wait3A_732 = arith.constant 0 : i32
      %dma_wait3A_733 = tpu.memref_slice %arg6[%dma_wait3A_729, %dma_wait3A_731, %dma_wait3A_732] : memref<5x128x128xf32, #tpu.memory_space<vmem>> -> memref<1x128x128xf32, #tpu.memory_space<vmem>>
      %dma_wait3A_734 = tpu.memref_squeeze %dma_wait3A_733 : memref<1x128x128xf32, #tpu.memory_space<vmem>> -> memref<128x128xf32, #tpu.memory_space<vmem>>
      %dma_wait3A_735 = arith.constant 0 : i32
      %dma_wait3A_736 = tpu.memref_slice %arg5[%dma_wait3A_728, %dma_wait3A_735] : memref<5x128xi32, #tpu.memory_space<vmem>> -> memref<1x128xi32, #tpu.memory_space<vmem>>
      %dma_wait3A_737 = tpu.memref_squeeze %dma_wait3A_736 : memref<1x128xi32, #tpu.memory_space<vmem>> -> memref<128xi32, #tpu.memory_space<vmem>>
      %dma_wait3A_738 = arith.constant 0 : i32
      %dma_wait3A_739 = arith.constant 0 : i32
      %dma_wait3A_740 = tpu.memref_slice %arg3[%dma_wait3A_738, %dma_wait3A_739] : memref<1000001x128xf32, #tpu.memory_space<hbm>> -> memref<1000001x128xf32, #tpu.memory_space<hbm>>
      %dma_wait3A_741 = tpu.memref_slice %arg8[%dma_wait3A_730] : memref<5x!tpu.dma_semaphore, #tpu.memory_space<semaphore_mem>> -> memref<1x!tpu.dma_semaphore, #tpu.memory_space<semaphore_mem>>
      %dma_wait3A_742 = tpu.memref_squeeze %dma_wait3A_741 : memref<1x!tpu.dma_semaphore, #tpu.memory_space<semaphore_mem>> -> memref<!tpu.dma_semaphore, #tpu.memory_space<semaphore_mem>>
      tpu.wait_indirect_dma semaphore(%dma_wait3A_742 : memref<!tpu.dma_semaphore, #tpu.memory_space<semaphore_mem>>) src(%dma_wait3A_740 : memref<1000001x128xf32, #tpu.memory_space<hbm>>) dst(%dma_wait3A_734 : memref<128x128xf32, #tpu.memory_space<vmem>>)
      %mul3A_743 = arith.constant 128 : i32
      %mul3A_744 = arith.muli %sub3A_727, %mul3A_743 : i32
      %add3A_745 = arith.addi %mul3A_2, %mul3A_744 : i32
      %dma_start3A_746 = arith.constant 3 : i32
      %dma_start3A_747 = arith.constant 3 : i32
      %dma_start3A_748 = arith.constant 0 : i32
      %dma_start3A_749 = arith.constant 0 : i32
      %dma_start3A_750 = tpu.memref_slice %arg6[%dma_start3A_746, %dma_start3A_748, %dma_start3A_749] : memref<5x128x128xf32, #tpu.memory_space<vmem>> -> memref<1x128x64xf32, #tpu.memory_space<vmem>>
      %dma_start3A_751 = tpu.memref_squeeze %dma_start3A_750 : memref<1x128x64xf32, #tpu.memory_space<vmem>> -> memref<128x64xf32, #tpu.memory_space<vmem>>
      %dma_start3A_752 = arith.constant 0 : i32
      %dma_start3A_753 = tpu.memref_slice %arg4[%add3A_745, %dma_start3A_752] : memref<819200x128xf32, #tpu.memory_space<hbm>> -> memref<128x64xf32, #tpu.memory_space<hbm>>
      %dma_start3A_754 = tpu.memref_slice %arg9[%dma_start3A_747] : memref<5x!tpu.dma_semaphore, #tpu.memory_space<semaphore_mem>> -> memref<1x!tpu.dma_semaphore, #tpu.memory_space<semaphore_mem>>
      %dma_start3A_755 = tpu.memref_squeeze %dma_start3A_754 : memref<1x!tpu.dma_semaphore, #tpu.memory_space<semaphore_mem>> -> memref<!tpu.dma_semaphore, #tpu.memory_space<semaphore_mem>>
      %dma_start3A_756 = arith.constant 0 : i32
      %dma_start3A_757 = tpu.memref_slice %arg4[%add3A_745, %dma_start3A_756] : memref<819200x128xf32, #tpu.memory_space<hbm>> -> memref<128x64xf32, #tpu.memory_space<hbm>>
      %dma_start3A_758 = arith.constant 0 : i32
      %dma_start3A_759 = arith.constant 0 : i32
      %dma_start3A_760 = tpu.memref_slice %arg6[%dma_start3A_746, %dma_start3A_758, %dma_start3A_759] : memref<5x128x128xf32, #tpu.memory_space<vmem>> -> memref<1x128x64xf32, #tpu.memory_space<vmem>>
      %dma_start3A_761 = tpu.memref_squeeze %dma_start3A_760 : memref<1x128x64xf32, #tpu.memory_space<vmem>> -> memref<128x64xf32, #tpu.memory_space<vmem>>
      tpu.enqueue_dma source(%dma_start3A_761 : memref<128x64xf32, #tpu.memory_space<vmem>>) target(%dma_start3A_757 : memref<128x64xf32, #tpu.memory_space<hbm>>) target_semaphore(%dma_start3A_755 : memref<!tpu.dma_semaphore, #tpu.memory_space<semaphore_mem>>)
      %add3A_762 = arith.constant 5 : i32
      %add3A_763 = arith.addi %sub3A_727, %add3A_762 : i32
      %lt3A_764 = arith.constant 200 : i32
      %lt3A_765 = arith.cmpi slt, %add3A_763, %lt3A_764 : i32
      %convert_element_type3A_766 = arith.extui %lt3A_765 : i1 to i32
      %cond3A_767 = arith.constant 0 : i32
      %cond3A_768 = arith.cmpi ne, %convert_element_type3A_766, %cond3A_767 : i32
      scf.if %cond3A_768 {
        %add3A_957 = arith.constant 5 : i32
        %add3A_958 = arith.addi %sub3A_727, %add3A_957 : i32
        %mul3A_959 = arith.constant 128 : i32
        %mul3A_960 = arith.muli %add3A_958, %mul3A_959 : i32
        %add3A_961 = arith.addi %mul3A_2, %mul3A_960 : i32
        %dma_start3A_962 = arith.constant 3 : i32
        %dma_start3A_963 = arith.constant 3 : i32
        %dma_start3A_964 = arith.constant 0 : i32
        %dma_start3A_965 = tpu.memref_slice %arg5[%dma_start3A_962, %dma_start3A_964] : memref<5x128xi32, #tpu.memory_space<vmem>> -> memref<1x128xi32, #tpu.memory_space<vmem>>
        %dma_start3A_966 = tpu.memref_squeeze %dma_start3A_965 : memref<1x128xi32, #tpu.memory_space<vmem>> -> memref<128xi32, #tpu.memory_space<vmem>>
        %dma_start3A_967 = tpu.memref_slice %arg2[%add3A_961] : memref<819200xi32, #tpu.memory_space<hbm>> -> memref<128xi32, #tpu.memory_space<hbm>>
        %dma_start3A_968 = tpu.memref_slice %arg7[%dma_start3A_963] : memref<5x!tpu.dma_semaphore, #tpu.memory_space<semaphore_mem>> -> memref<1x!tpu.dma_semaphore, #tpu.memory_space<semaphore_mem>>
        %dma_start3A_969 = tpu.memref_squeeze %dma_start3A_968 : memref<1x!tpu.dma_semaphore, #tpu.memory_space<semaphore_mem>> -> memref<!tpu.dma_semaphore, #tpu.memory_space<semaphore_mem>>
        %dma_start3A_970 = arith.constant 0 : i32
        %dma_start3A_971 = tpu.memref_slice %arg5[%dma_start3A_962, %dma_start3A_970] : memref<5x128xi32, #tpu.memory_space<vmem>> -> memref<1x128xi32, #tpu.memory_space<vmem>>
        %dma_start3A_972 = tpu.memref_squeeze %dma_start3A_971 : memref<1x128xi32, #tpu.memory_space<vmem>> -> memref<128xi32, #tpu.memory_space<vmem>>
        %dma_start3A_973 = tpu.memref_slice %arg2[%add3A_961] : memref<819200xi32, #tpu.memory_space<hbm>> -> memref<128xi32, #tpu.memory_space<hbm>>
        tpu.enqueue_dma source(%dma_start3A_973 : memref<128xi32, #tpu.memory_space<hbm>>) target(%dma_start3A_972 : memref<128xi32, #tpu.memory_space<vmem>>) target_semaphore(%dma_start3A_969 : memref<!tpu.dma_semaphore, #tpu.memory_space<semaphore_mem>>)
      } else {
      }
      %mul3A_769 = arith.constant 5 : i32
      %mul3A_770 = arith.muli %scan3A_490, %mul3A_769 : i32
      %add3A_771 = arith.constant 3 : i32
      %add3A_772 = arith.addi %mul3A_770, %add3A_771 : i32
      %dma_wait3A_773 = arith.constant 3 : i32
      %dma_wait3A_774 = arith.constant 3 : i32
      %dma_wait3A_775 = arith.constant 0 : i32
      %dma_wait3A_776 = arith.constant 0 : i32
      %dma_wait3A_777 = tpu.memref_slice %arg6[%dma_wait3A_773, %dma_wait3A_775, %dma_wait3A_776] : memref<5x128x128xf32, #tpu.memory_space<vmem>> -> memref<1x128x64xf32, #tpu.memory_space<vmem>>
      %dma_wait3A_778 = tpu.memref_squeeze %dma_wait3A_777 : memref<1x128x64xf32, #tpu.memory_space<vmem>> -> memref<128x64xf32, #tpu.memory_space<vmem>>
      %dma_wait3A_779 = arith.constant 0 : i32
      %dma_wait3A_780 = arith.constant 0 : i32
      %dma_wait3A_781 = tpu.memref_slice %arg4[%dma_wait3A_779, %dma_wait3A_780] : memref<819200x128xf32, #tpu.memory_space<hbm>> -> memref<128x64xf32, #tpu.memory_space<hbm>>
      %dma_wait3A_782 = tpu.memref_slice %arg9[%dma_wait3A_774] : memref<5x!tpu.dma_semaphore, #tpu.memory_space<semaphore_mem>> -> memref<1x!tpu.dma_semaphore, #tpu.memory_space<semaphore_mem>>
      %dma_wait3A_783 = tpu.memref_squeeze %dma_wait3A_782 : memref<1x!tpu.dma_semaphore, #tpu.memory_space<semaphore_mem>> -> memref<!tpu.dma_semaphore, #tpu.memory_space<semaphore_mem>>
      %dma_wait3A_784 = arith.constant 0 : i32
      %dma_wait3A_785 = arith.constant 0 : i32
      %dma_wait3A_786 = tpu.memref_slice %arg4[%dma_wait3A_784, %dma_wait3A_785] : memref<819200x128xf32, #tpu.memory_space<hbm>> -> memref<128x64xf32, #tpu.memory_space<hbm>>
      %dma_wait3A_787 = arith.constant 0 : i32
      %dma_wait3A_788 = arith.constant 0 : i32
      %dma_wait3A_789 = tpu.memref_slice %arg6[%dma_wait3A_773, %dma_wait3A_787, %dma_wait3A_788] : memref<5x128x128xf32, #tpu.memory_space<vmem>> -> memref<1x128x64xf32, #tpu.memory_space<vmem>>
      %dma_wait3A_790 = tpu.memref_squeeze %dma_wait3A_789 : memref<1x128x64xf32, #tpu.memory_space<vmem>> -> memref<128x64xf32, #tpu.memory_space<vmem>>
      tpu.wait_dma2 semaphore(%dma_wait3A_783 : memref<!tpu.dma_semaphore, #tpu.memory_space<semaphore_mem>>) src(%dma_wait3A_790 : memref<128x64xf32, #tpu.memory_space<vmem>>) dst(%dma_wait3A_786 : memref<128x64xf32, #tpu.memory_space<hbm>>)
      %dma_wait3A_791 = arith.constant 3 : i32
      %dma_wait3A_792 = arith.constant 3 : i32
      %dma_wait3A_793 = arith.constant 0 : i32
      %dma_wait3A_794 = tpu.memref_slice %arg5[%dma_wait3A_791, %dma_wait3A_793] : memref<5x128xi32, #tpu.memory_space<vmem>> -> memref<1x128xi32, #tpu.memory_space<vmem>>
      %dma_wait3A_795 = tpu.memref_squeeze %dma_wait3A_794 : memref<1x128xi32, #tpu.memory_space<vmem>> -> memref<128xi32, #tpu.memory_space<vmem>>
      %dma_wait3A_796 = arith.constant 0 : i32
      %dma_wait3A_797 = tpu.memref_slice %arg2[%dma_wait3A_796] : memref<819200xi32, #tpu.memory_space<hbm>> -> memref<128xi32, #tpu.memory_space<hbm>>
      %dma_wait3A_798 = tpu.memref_slice %arg7[%dma_wait3A_792] : memref<5x!tpu.dma_semaphore, #tpu.memory_space<semaphore_mem>> -> memref<1x!tpu.dma_semaphore, #tpu.memory_space<semaphore_mem>>
      %dma_wait3A_799 = tpu.memref_squeeze %dma_wait3A_798 : memref<1x!tpu.dma_semaphore, #tpu.memory_space<semaphore_mem>> -> memref<!tpu.dma_semaphore, #tpu.memory_space<semaphore_mem>>
      %dma_wait3A_800 = arith.constant 0 : i32
      %dma_wait3A_801 = tpu.memref_slice %arg5[%dma_wait3A_791, %dma_wait3A_800] : memref<5x128xi32, #tpu.memory_space<vmem>> -> memref<1x128xi32, #tpu.memory_space<vmem>>
      %dma_wait3A_802 = tpu.memref_squeeze %dma_wait3A_801 : memref<1x128xi32, #tpu.memory_space<vmem>> -> memref<128xi32, #tpu.memory_space<vmem>>
      %dma_wait3A_803 = arith.constant 0 : i32
      %dma_wait3A_804 = tpu.memref_slice %arg2[%dma_wait3A_803] : memref<819200xi32, #tpu.memory_space<hbm>> -> memref<128xi32, #tpu.memory_space<hbm>>
      tpu.wait_dma2 semaphore(%dma_wait3A_799 : memref<!tpu.dma_semaphore, #tpu.memory_space<semaphore_mem>>) src(%dma_wait3A_804 : memref<128xi32, #tpu.memory_space<hbm>>) dst(%dma_wait3A_802 : memref<128xi32, #tpu.memory_space<vmem>>)
      %dma_start3A_805 = arith.constant 3 : i32
      %dma_start3A_806 = arith.constant 3 : i32
      %dma_start3A_807 = arith.constant 3 : i32
      %dma_start3A_808 = arith.constant 0 : i32
      %dma_start3A_809 = arith.constant 0 : i32
      %dma_start3A_810 = tpu.memref_slice %arg6[%dma_start3A_806, %dma_start3A_808, %dma_start3A_809] : memref<5x128x128xf32, #tpu.memory_space<vmem>> -> memref<1x128x128xf32, #tpu.memory_space<vmem>>
      %dma_start3A_811 = tpu.memref_squeeze %dma_start3A_810 : memref<1x128x128xf32, #tpu.memory_space<vmem>> -> memref<128x128xf32, #tpu.memory_space<vmem>>
      %dma_start3A_812 = arith.constant 0 : i32
      %dma_start3A_813 = tpu.memref_slice %arg5[%dma_start3A_805, %dma_start3A_812] : memref<5x128xi32, #tpu.memory_space<vmem>> -> memref<1x128xi32, #tpu.memory_space<vmem>>
      %dma_start3A_814 = tpu.memref_squeeze %dma_start3A_813 : memref<1x128xi32, #tpu.memory_space<vmem>> -> memref<128xi32, #tpu.memory_space<vmem>>
      %dma_start3A_815 = arith.constant 0 : i32
      %dma_start3A_816 = arith.constant 0 : i32
      %dma_start3A_817 = tpu.memref_slice %arg3[%dma_start3A_815, %dma_start3A_816] : memref<1000001x128xf32, #tpu.memory_space<hbm>> -> memref<1000001x128xf32, #tpu.memory_space<hbm>>
      %dma_start3A_818 = tpu.memref_slice %arg8[%dma_start3A_807] : memref<5x!tpu.dma_semaphore, #tpu.memory_space<semaphore_mem>> -> memref<1x!tpu.dma_semaphore, #tpu.memory_space<semaphore_mem>>
      %dma_start3A_819 = tpu.memref_squeeze %dma_start3A_818 : memref<1x!tpu.dma_semaphore, #tpu.memory_space<semaphore_mem>> -> memref<!tpu.dma_semaphore, #tpu.memory_space<semaphore_mem>>
      tpu.enqueue_indirect_dma source(%dma_start3A_817 : memref<1000001x128xf32, #tpu.memory_space<hbm>>) target(%dma_start3A_811 : memref<128x128xf32, #tpu.memory_space<vmem>>) offsets(%dma_start3A_814 : memref<128xi32, #tpu.memory_space<vmem>>) semaphore(%dma_start3A_819 : memref<!tpu.dma_semaphore, #tpu.memory_space<semaphore_mem>>)
      %sub3A_820 = arith.constant 4 : i32
      %sub3A_821 = arith.subi %add3A_772, %sub3A_820 : i32
      %dma_wait3A_822 = arith.constant 4 : i32
      %dma_wait3A_823 = arith.constant 4 : i32
      %dma_wait3A_824 = arith.constant 4 : i32
      %dma_wait3A_825 = arith.constant 0 : i32
      %dma_wait3A_826 = arith.constant 0 : i32
      %dma_wait3A_827 = tpu.memref_slice %arg6[%dma_wait3A_823, %dma_wait3A_825, %dma_wait3A_826] : memref<5x128x128xf32, #tpu.memory_space<vmem>> -> memref<1x128x128xf32, #tpu.memory_space<vmem>>
      %dma_wait3A_828 = tpu.memref_squeeze %dma_wait3A_827 : memref<1x128x128xf32, #tpu.memory_space<vmem>> -> memref<128x128xf32, #tpu.memory_space<vmem>>
      %dma_wait3A_829 = arith.constant 0 : i32
      %dma_wait3A_830 = tpu.memref_slice %arg5[%dma_wait3A_822, %dma_wait3A_829] : memref<5x128xi32, #tpu.memory_space<vmem>> -> memref<1x128xi32, #tpu.memory_space<vmem>>
      %dma_wait3A_831 = tpu.memref_squeeze %dma_wait3A_830 : memref<1x128xi32, #tpu.memory_space<vmem>> -> memref<128xi32, #tpu.memory_space<vmem>>
      %dma_wait3A_832 = arith.constant 0 : i32
      %dma_wait3A_833 = arith.constant 0 : i32
      %dma_wait3A_834 = tpu.memref_slice %arg3[%dma_wait3A_832, %dma_wait3A_833] : memref<1000001x128xf32, #tpu.memory_space<hbm>> -> memref<1000001x128xf32, #tpu.memory_space<hbm>>
      %dma_wait3A_835 = tpu.memref_slice %arg8[%dma_wait3A_824] : memref<5x!tpu.dma_semaphore, #tpu.memory_space<semaphore_mem>> -> memref<1x!tpu.dma_semaphore, #tpu.memory_space<semaphore_mem>>
      %dma_wait3A_836 = tpu.memref_squeeze %dma_wait3A_835 : memref<1x!tpu.dma_semaphore, #tpu.memory_space<semaphore_mem>> -> memref<!tpu.dma_semaphore, #tpu.memory_space<semaphore_mem>>
      tpu.wait_indirect_dma semaphore(%dma_wait3A_836 : memref<!tpu.dma_semaphore, #tpu.memory_space<semaphore_mem>>) src(%dma_wait3A_834 : memref<1000001x128xf32, #tpu.memory_space<hbm>>) dst(%dma_wait3A_828 : memref<128x128xf32, #tpu.memory_space<vmem>>)
      %mul3A_837 = arith.constant 128 : i32
      %mul3A_838 = arith.muli %sub3A_821, %mul3A_837 : i32
      %add3A_839 = arith.addi %mul3A_2, %mul3A_838 : i32
      %dma_start3A_840 = arith.constant 4 : i32
      %dma_start3A_841 = arith.constant 4 : i32
      %dma_start3A_842 = arith.constant 0 : i32
      %dma_start3A_843 = arith.constant 0 : i32
      %dma_start3A_844 = tpu.memref_slice %arg6[%dma_start3A_840, %dma_start3A_842, %dma_start3A_843] : memref<5x128x128xf32, #tpu.memory_space<vmem>> -> memref<1x128x64xf32, #tpu.memory_space<vmem>>
      %dma_start3A_845 = tpu.memref_squeeze %dma_start3A_844 : memref<1x128x64xf32, #tpu.memory_space<vmem>> -> memref<128x64xf32, #tpu.memory_space<vmem>>
      %dma_start3A_846 = arith.constant 0 : i32
      %dma_start3A_847 = tpu.memref_slice %arg4[%add3A_839, %dma_start3A_846] : memref<819200x128xf32, #tpu.memory_space<hbm>> -> memref<128x64xf32, #tpu.memory_space<hbm>>
      %dma_start3A_848 = tpu.memref_slice %arg9[%dma_start3A_841] : memref<5x!tpu.dma_semaphore, #tpu.memory_space<semaphore_mem>> -> memref<1x!tpu.dma_semaphore, #tpu.memory_space<semaphore_mem>>
      %dma_start3A_849 = tpu.memref_squeeze %dma_start3A_848 : memref<1x!tpu.dma_semaphore, #tpu.memory_space<semaphore_mem>> -> memref<!tpu.dma_semaphore, #tpu.memory_space<semaphore_mem>>
      %dma_start3A_850 = arith.constant 0 : i32
      %dma_start3A_851 = tpu.memref_slice %arg4[%add3A_839, %dma_start3A_850] : memref<819200x128xf32, #tpu.memory_space<hbm>> -> memref<128x64xf32, #tpu.memory_space<hbm>>
      %dma_start3A_852 = arith.constant 0 : i32
      %dma_start3A_853 = arith.constant 0 : i32
      %dma_start3A_854 = tpu.memref_slice %arg6[%dma_start3A_840, %dma_start3A_852, %dma_start3A_853] : memref<5x128x128xf32, #tpu.memory_space<vmem>> -> memref<1x128x64xf32, #tpu.memory_space<vmem>>
      %dma_start3A_855 = tpu.memref_squeeze %dma_start3A_854 : memref<1x128x64xf32, #tpu.memory_space<vmem>> -> memref<128x64xf32, #tpu.memory_space<vmem>>
      tpu.enqueue_dma source(%dma_start3A_855 : memref<128x64xf32, #tpu.memory_space<vmem>>) target(%dma_start3A_851 : memref<128x64xf32, #tpu.memory_space<hbm>>) target_semaphore(%dma_start3A_849 : memref<!tpu.dma_semaphore, #tpu.memory_space<semaphore_mem>>)
      %add3A_856 = arith.constant 5 : i32
      %add3A_857 = arith.addi %sub3A_821, %add3A_856 : i32
      %lt3A_858 = arith.constant 200 : i32
      %lt3A_859 = arith.cmpi slt, %add3A_857, %lt3A_858 : i32
      %convert_element_type3A_860 = arith.extui %lt3A_859 : i1 to i32
      %cond3A_861 = arith.constant 0 : i32
      %cond3A_862 = arith.cmpi ne, %convert_element_type3A_860, %cond3A_861 : i32
      scf.if %cond3A_862 {
        %add3A_957 = arith.constant 5 : i32
        %add3A_958 = arith.addi %sub3A_821, %add3A_957 : i32
        %mul3A_959 = arith.constant 128 : i32
        %mul3A_960 = arith.muli %add3A_958, %mul3A_959 : i32
        %add3A_961 = arith.addi %mul3A_2, %mul3A_960 : i32
        %dma_start3A_962 = arith.constant 4 : i32
        %dma_start3A_963 = arith.constant 4 : i32
        %dma_start3A_964 = arith.constant 0 : i32
        %dma_start3A_965 = tpu.memref_slice %arg5[%dma_start3A_962, %dma_start3A_964] : memref<5x128xi32, #tpu.memory_space<vmem>> -> memref<1x128xi32, #tpu.memory_space<vmem>>
        %dma_start3A_966 = tpu.memref_squeeze %dma_start3A_965 : memref<1x128xi32, #tpu.memory_space<vmem>> -> memref<128xi32, #tpu.memory_space<vmem>>
        %dma_start3A_967 = tpu.memref_slice %arg2[%add3A_961] : memref<819200xi32, #tpu.memory_space<hbm>> -> memref<128xi32, #tpu.memory_space<hbm>>
        %dma_start3A_968 = tpu.memref_slice %arg7[%dma_start3A_963] : memref<5x!tpu.dma_semaphore, #tpu.memory_space<semaphore_mem>> -> memref<1x!tpu.dma_semaphore, #tpu.memory_space<semaphore_mem>>
        %dma_start3A_969 = tpu.memref_squeeze %dma_start3A_968 : memref<1x!tpu.dma_semaphore, #tpu.memory_space<semaphore_mem>> -> memref<!tpu.dma_semaphore, #tpu.memory_space<semaphore_mem>>
        %dma_start3A_970 = arith.constant 0 : i32
        %dma_start3A_971 = tpu.memref_slice %arg5[%dma_start3A_962, %dma_start3A_970] : memref<5x128xi32, #tpu.memory_space<vmem>> -> memref<1x128xi32, #tpu.memory_space<vmem>>
        %dma_start3A_972 = tpu.memref_squeeze %dma_start3A_971 : memref<1x128xi32, #tpu.memory_space<vmem>> -> memref<128xi32, #tpu.memory_space<vmem>>
        %dma_start3A_973 = tpu.memref_slice %arg2[%add3A_961] : memref<819200xi32, #tpu.memory_space<hbm>> -> memref<128xi32, #tpu.memory_space<hbm>>
        tpu.enqueue_dma source(%dma_start3A_973 : memref<128xi32, #tpu.memory_space<hbm>>) target(%dma_start3A_972 : memref<128xi32, #tpu.memory_space<vmem>>) target_semaphore(%dma_start3A_969 : memref<!tpu.dma_semaphore, #tpu.memory_space<semaphore_mem>>)
      } else {
      }
      %mul3A_863 = arith.constant 5 : i32
      %mul3A_864 = arith.muli %scan3A_490, %mul3A_863 : i32
      %add3A_865 = arith.constant 4 : i32
      %add3A_866 = arith.addi %mul3A_864, %add3A_865 : i32
      %dma_wait3A_867 = arith.constant 4 : i32
      %dma_wait3A_868 = arith.constant 4 : i32
      %dma_wait3A_869 = arith.constant 0 : i32
      %dma_wait3A_870 = arith.constant 0 : i32
      %dma_wait3A_871 = tpu.memref_slice %arg6[%dma_wait3A_867, %dma_wait3A_869, %dma_wait3A_870] : memref<5x128x128xf32, #tpu.memory_space<vmem>> -> memref<1x128x64xf32, #tpu.memory_space<vmem>>
      %dma_wait3A_872 = tpu.memref_squeeze %dma_wait3A_871 : memref<1x128x64xf32, #tpu.memory_space<vmem>> -> memref<128x64xf32, #tpu.memory_space<vmem>>
      %dma_wait3A_873 = arith.constant 0 : i32
      %dma_wait3A_874 = arith.constant 0 : i32
      %dma_wait3A_875 = tpu.memref_slice %arg4[%dma_wait3A_873, %dma_wait3A_874] : memref<819200x128xf32, #tpu.memory_space<hbm>> -> memref<128x64xf32, #tpu.memory_space<hbm>>
      %dma_wait3A_876 = tpu.memref_slice %arg9[%dma_wait3A_868] : memref<5x!tpu.dma_semaphore, #tpu.memory_space<semaphore_mem>> -> memref<1x!tpu.dma_semaphore, #tpu.memory_space<semaphore_mem>>
      %dma_wait3A_877 = tpu.memref_squeeze %dma_wait3A_876 : memref<1x!tpu.dma_semaphore, #tpu.memory_space<semaphore_mem>> -> memref<!tpu.dma_semaphore, #tpu.memory_space<semaphore_mem>>
      %dma_wait3A_878 = arith.constant 0 : i32
      %dma_wait3A_879 = arith.constant 0 : i32
      %dma_wait3A_880 = tpu.memref_slice %arg4[%dma_wait3A_878, %dma_wait3A_879] : memref<819200x128xf32, #tpu.memory_space<hbm>> -> memref<128x64xf32, #tpu.memory_space<hbm>>
      %dma_wait3A_881 = arith.constant 0 : i32
      %dma_wait3A_882 = arith.constant 0 : i32
      %dma_wait3A_883 = tpu.memref_slice %arg6[%dma_wait3A_867, %dma_wait3A_881, %dma_wait3A_882] : memref<5x128x128xf32, #tpu.memory_space<vmem>> -> memref<1x128x64xf32, #tpu.memory_space<vmem>>
      %dma_wait3A_884 = tpu.memref_squeeze %dma_wait3A_883 : memref<1x128x64xf32, #tpu.memory_space<vmem>> -> memref<128x64xf32, #tpu.memory_space<vmem>>
      tpu.wait_dma2 semaphore(%dma_wait3A_877 : memref<!tpu.dma_semaphore, #tpu.memory_space<semaphore_mem>>) src(%dma_wait3A_884 : memref<128x64xf32, #tpu.memory_space<vmem>>) dst(%dma_wait3A_880 : memref<128x64xf32, #tpu.memory_space<hbm>>)
      %dma_wait3A_885 = arith.constant 4 : i32
      %dma_wait3A_886 = arith.constant 4 : i32
      %dma_wait3A_887 = arith.constant 0 : i32
      %dma_wait3A_888 = tpu.memref_slice %arg5[%dma_wait3A_885, %dma_wait3A_887] : memref<5x128xi32, #tpu.memory_space<vmem>> -> memref<1x128xi32, #tpu.memory_space<vmem>>
      %dma_wait3A_889 = tpu.memref_squeeze %dma_wait3A_888 : memref<1x128xi32, #tpu.memory_space<vmem>> -> memref<128xi32, #tpu.memory_space<vmem>>
      %dma_wait3A_890 = arith.constant 0 : i32
      %dma_wait3A_891 = tpu.memref_slice %arg2[%dma_wait3A_890] : memref<819200xi32, #tpu.memory_space<hbm>> -> memref<128xi32, #tpu.memory_space<hbm>>
      %dma_wait3A_892 = tpu.memref_slice %arg7[%dma_wait3A_886] : memref<5x!tpu.dma_semaphore, #tpu.memory_space<semaphore_mem>> -> memref<1x!tpu.dma_semaphore, #tpu.memory_space<semaphore_mem>>
      %dma_wait3A_893 = tpu.memref_squeeze %dma_wait3A_892 : memref<1x!tpu.dma_semaphore, #tpu.memory_space<semaphore_mem>> -> memref<!tpu.dma_semaphore, #tpu.memory_space<semaphore_mem>>
      %dma_wait3A_894 = arith.constant 0 : i32
      %dma_wait3A_895 = tpu.memref_slice %arg5[%dma_wait3A_885, %dma_wait3A_894] : memref<5x128xi32, #tpu.memory_space<vmem>> -> memref<1x128xi32, #tpu.memory_space<vmem>>
      %dma_wait3A_896 = tpu.memref_squeeze %dma_wait3A_895 : memref<1x128xi32, #tpu.memory_space<vmem>> -> memref<128xi32, #tpu.memory_space<vmem>>
      %dma_wait3A_897 = arith.constant 0 : i32
      %dma_wait3A_898 = tpu.memref_slice %arg2[%dma_wait3A_897] : memref<819200xi32, #tpu.memory_space<hbm>> -> memref<128xi32, #tpu.memory_space<hbm>>
      tpu.wait_dma2 semaphore(%dma_wait3A_893 : memref<!tpu.dma_semaphore, #tpu.memory_space<semaphore_mem>>) src(%dma_wait3A_898 : memref<128xi32, #tpu.memory_space<hbm>>) dst(%dma_wait3A_896 : memref<128xi32, #tpu.memory_space<vmem>>)
      %dma_start3A_899 = arith.constant 4 : i32
      %dma_start3A_900 = arith.constant 4 : i32
      %dma_start3A_901 = arith.constant 4 : i32
      %dma_start3A_902 = arith.constant 0 : i32
      %dma_start3A_903 = arith.constant 0 : i32
      %dma_start3A_904 = tpu.memref_slice %arg6[%dma_start3A_900, %dma_start3A_902, %dma_start3A_903] : memref<5x128x128xf32, #tpu.memory_space<vmem>> -> memref<1x128x128xf32, #tpu.memory_space<vmem>>
      %dma_start3A_905 = tpu.memref_squeeze %dma_start3A_904 : memref<1x128x128xf32, #tpu.memory_space<vmem>> -> memref<128x128xf32, #tpu.memory_space<vmem>>
      %dma_start3A_906 = arith.constant 0 : i32
      %dma_start3A_907 = tpu.memref_slice %arg5[%dma_start3A_899, %dma_start3A_906] : memref<5x128xi32, #tpu.memory_space<vmem>> -> memref<1x128xi32, #tpu.memory_space<vmem>>
      %dma_start3A_908 = tpu.memref_squeeze %dma_start3A_907 : memref<1x128xi32, #tpu.memory_space<vmem>> -> memref<128xi32, #tpu.memory_space<vmem>>
      %dma_start3A_909 = arith.constant 0 : i32
      %dma_start3A_910 = arith.constant 0 : i32
      %dma_start3A_911 = tpu.memref_slice %arg3[%dma_start3A_909, %dma_start3A_910] : memref<1000001x128xf32, #tpu.memory_space<hbm>> -> memref<1000001x128xf32, #tpu.memory_space<hbm>>
      %dma_start3A_912 = tpu.memref_slice %arg8[%dma_start3A_901] : memref<5x!tpu.dma_semaphore, #tpu.memory_space<semaphore_mem>> -> memref<1x!tpu.dma_semaphore, #tpu.memory_space<semaphore_mem>>
      %dma_start3A_913 = tpu.memref_squeeze %dma_start3A_912 : memref<1x!tpu.dma_semaphore, #tpu.memory_space<semaphore_mem>> -> memref<!tpu.dma_semaphore, #tpu.memory_space<semaphore_mem>>
      tpu.enqueue_indirect_dma source(%dma_start3A_911 : memref<1000001x128xf32, #tpu.memory_space<hbm>>) target(%dma_start3A_905 : memref<128x128xf32, #tpu.memory_space<vmem>>) offsets(%dma_start3A_908 : memref<128xi32, #tpu.memory_space<vmem>>) semaphore(%dma_start3A_913 : memref<!tpu.dma_semaphore, #tpu.memory_space<semaphore_mem>>)
      %sub3A_914 = arith.constant 4 : i32
      %sub3A_915 = arith.subi %add3A_866, %sub3A_914 : i32
      %dma_wait3A_916 = arith.constant 0 : i32
      %dma_wait3A_917 = arith.constant 0 : i32
      %dma_wait3A_918 = arith.constant 0 : i32
      %dma_wait3A_919 = arith.constant 0 : i32
      %dma_wait3A_920 = arith.constant 0 : i32
      %dma_wait3A_921 = tpu.memref_slice %arg6[%dma_wait3A_917, %dma_wait3A_919, %dma_wait3A_920] : memref<5x128x128xf32, #tpu.memory_space<vmem>> -> memref<1x128x128xf32, #tpu.memory_space<vmem>>
      %dma_wait3A_922 = tpu.memref_squeeze %dma_wait3A_921 : memref<1x128x128xf32, #tpu.memory_space<vmem>> -> memref<128x128xf32, #tpu.memory_space<vmem>>
      %dma_wait3A_923 = arith.constant 0 : i32
      %dma_wait3A_924 = tpu.memref_slice %arg5[%dma_wait3A_916, %dma_wait3A_923] : memref<5x128xi32, #tpu.memory_space<vmem>> -> memref<1x128xi32, #tpu.memory_space<vmem>>
      %dma_wait3A_925 = tpu.memref_squeeze %dma_wait3A_924 : memref<1x128xi32, #tpu.memory_space<vmem>> -> memref<128xi32, #tpu.memory_space<vmem>>
      %dma_wait3A_926 = arith.constant 0 : i32
      %dma_wait3A_927 = arith.constant 0 : i32
      %dma_wait3A_928 = tpu.memref_slice %arg3[%dma_wait3A_926, %dma_wait3A_927] : memref<1000001x128xf32, #tpu.memory_space<hbm>> -> memref<1000001x128xf32, #tpu.memory_space<hbm>>
      %dma_wait3A_929 = tpu.memref_slice %arg8[%dma_wait3A_918] : memref<5x!tpu.dma_semaphore, #tpu.memory_space<semaphore_mem>> -> memref<1x!tpu.dma_semaphore, #tpu.memory_space<semaphore_mem>>
      %dma_wait3A_930 = tpu.memref_squeeze %dma_wait3A_929 : memref<1x!tpu.dma_semaphore, #tpu.memory_space<semaphore_mem>> -> memref<!tpu.dma_semaphore, #tpu.memory_space<semaphore_mem>>
      tpu.wait_indirect_dma semaphore(%dma_wait3A_930 : memref<!tpu.dma_semaphore, #tpu.memory_space<semaphore_mem>>) src(%dma_wait3A_928 : memref<1000001x128xf32, #tpu.memory_space<hbm>>) dst(%dma_wait3A_922 : memref<128x128xf32, #tpu.memory_space<vmem>>)
      %mul3A_931 = arith.constant 128 : i32
      %mul3A_932 = arith.muli %sub3A_915, %mul3A_931 : i32
      %add3A_933 = arith.addi %mul3A_2, %mul3A_932 : i32
      %dma_start3A_934 = arith.constant 0 : i32
      %dma_start3A_935 = arith.constant 0 : i32
      %dma_start3A_936 = arith.constant 0 : i32
      %dma_start3A_937 = arith.constant 0 : i32
      %dma_start3A_938 = tpu.memref_slice %arg6[%dma_start3A_934, %dma_start3A_936, %dma_start3A_937] : memref<5x128x128xf32, #tpu.memory_space<vmem>> -> memref<1x128x64xf32, #tpu.memory_space<vmem>>
      %dma_start3A_939 = tpu.memref_squeeze %dma_start3A_938 : memref<1x128x64xf32, #tpu.memory_space<vmem>> -> memref<128x64xf32, #tpu.memory_space<vmem>>
      %dma_start3A_940 = arith.constant 0 : i32
      %dma_start3A_941 = tpu.memref_slice %arg4[%add3A_933, %dma_start3A_940] : memref<819200x128xf32, #tpu.memory_space<hbm>> -> memref<128x64xf32, #tpu.memory_space<hbm>>
      %dma_start3A_942 = tpu.memref_slice %arg9[%dma_start3A_935] : memref<5x!tpu.dma_semaphore, #tpu.memory_space<semaphore_mem>> -> memref<1x!tpu.dma_semaphore, #tpu.memory_space<semaphore_mem>>
      %dma_start3A_943 = tpu.memref_squeeze %dma_start3A_942 : memref<1x!tpu.dma_semaphore, #tpu.memory_space<semaphore_mem>> -> memref<!tpu.dma_semaphore, #tpu.memory_space<semaphore_mem>>
      %dma_start3A_944 = arith.constant 0 : i32
      %dma_start3A_945 = tpu.memref_slice %arg4[%add3A_933, %dma_start3A_944] : memref<819200x128xf32, #tpu.memory_space<hbm>> -> memref<128x64xf32, #tpu.memory_space<hbm>>
      %dma_start3A_946 = arith.constant 0 : i32
      %dma_start3A_947 = arith.constant 0 : i32
      %dma_start3A_948 = tpu.memref_slice %arg6[%dma_start3A_934, %dma_start3A_946, %dma_start3A_947] : memref<5x128x128xf32, #tpu.memory_space<vmem>> -> memref<1x128x64xf32, #tpu.memory_space<vmem>>
      %dma_start3A_949 = tpu.memref_squeeze %dma_start3A_948 : memref<1x128x64xf32, #tpu.memory_space<vmem>> -> memref<128x64xf32, #tpu.memory_space<vmem>>
      tpu.enqueue_dma source(%dma_start3A_949 : memref<128x64xf32, #tpu.memory_space<vmem>>) target(%dma_start3A_945 : memref<128x64xf32, #tpu.memory_space<hbm>>) target_semaphore(%dma_start3A_943 : memref<!tpu.dma_semaphore, #tpu.memory_space<semaphore_mem>>)
      %add3A_950 = arith.constant 5 : i32
      %add3A_951 = arith.addi %sub3A_915, %add3A_950 : i32
      %lt3A_952 = arith.constant 200 : i32
      %lt3A_953 = arith.cmpi slt, %add3A_951, %lt3A_952 : i32
      %convert_element_type3A_954 = arith.extui %lt3A_953 : i1 to i32
      %cond3A_955 = arith.constant 0 : i32
      %cond3A_956 = arith.cmpi ne, %convert_element_type3A_954, %cond3A_955 : i32
      scf.if %cond3A_956 {
        %add3A_957 = arith.constant 5 : i32
        %add3A_958 = arith.addi %sub3A_915, %add3A_957 : i32
        %mul3A_959 = arith.constant 128 : i32
        %mul3A_960 = arith.muli %add3A_958, %mul3A_959 : i32
        %add3A_961 = arith.addi %mul3A_2, %mul3A_960 : i32
        %dma_start3A_962 = arith.constant 0 : i32
        %dma_start3A_963 = arith.constant 0 : i32
        %dma_start3A_964 = arith.constant 0 : i32
        %dma_start3A_965 = tpu.memref_slice %arg5[%dma_start3A_962, %dma_start3A_964] : memref<5x128xi32, #tpu.memory_space<vmem>> -> memref<1x128xi32, #tpu.memory_space<vmem>>
        %dma_start3A_966 = tpu.memref_squeeze %dma_start3A_965 : memref<1x128xi32, #tpu.memory_space<vmem>> -> memref<128xi32, #tpu.memory_space<vmem>>
        %dma_start3A_967 = tpu.memref_slice %arg2[%add3A_961] : memref<819200xi32, #tpu.memory_space<hbm>> -> memref<128xi32, #tpu.memory_space<hbm>>
        %dma_start3A_968 = tpu.memref_slice %arg7[%dma_start3A_963] : memref<5x!tpu.dma_semaphore, #tpu.memory_space<semaphore_mem>> -> memref<1x!tpu.dma_semaphore, #tpu.memory_space<semaphore_mem>>
        %dma_start3A_969 = tpu.memref_squeeze %dma_start3A_968 : memref<1x!tpu.dma_semaphore, #tpu.memory_space<semaphore_mem>> -> memref<!tpu.dma_semaphore, #tpu.memory_space<semaphore_mem>>
        %dma_start3A_970 = arith.constant 0 : i32
        %dma_start3A_971 = tpu.memref_slice %arg5[%dma_start3A_962, %dma_start3A_970] : memref<5x128xi32, #tpu.memory_space<vmem>> -> memref<1x128xi32, #tpu.memory_space<vmem>>
        %dma_start3A_972 = tpu.memref_squeeze %dma_start3A_971 : memref<1x128xi32, #tpu.memory_space<vmem>> -> memref<128xi32, #tpu.memory_space<vmem>>
        %dma_start3A_973 = tpu.memref_slice %arg2[%add3A_961] : memref<819200xi32, #tpu.memory_space<hbm>> -> memref<128xi32, #tpu.memory_space<hbm>>
        tpu.enqueue_dma source(%dma_start3A_973 : memref<128xi32, #tpu.memory_space<hbm>>) target(%dma_start3A_972 : memref<128xi32, #tpu.memory_space<vmem>>) target_semaphore(%dma_start3A_969 : memref<!tpu.dma_semaphore, #tpu.memory_space<semaphore_mem>>)
      } else {
      }
    }
    %scan3A_267 = arith.constant 39 : i32
    %dma_wait3A_268 = arith.constant 1 : i32
    %dma_wait3A_269 = arith.constant 1 : i32
    %dma_wait3A_270 = arith.constant 1 : i32
    %dma_wait3A_271 = arith.constant 0 : i32
    %dma_wait3A_272 = arith.constant 0 : i32
    %dma_wait3A_273 = tpu.memref_slice %arg6[%dma_wait3A_269, %dma_wait3A_271, %dma_wait3A_272] : memref<5x128x128xf32, #tpu.memory_space<vmem>> -> memref<1x128x128xf32, #tpu.memory_space<vmem>>
    %dma_wait3A_274 = tpu.memref_squeeze %dma_wait3A_273 : memref<1x128x128xf32, #tpu.memory_space<vmem>> -> memref<128x128xf32, #tpu.memory_space<vmem>>
    %dma_wait3A_275 = arith.constant 0 : i32
    %dma_wait3A_276 = tpu.memref_slice %arg5[%dma_wait3A_268, %dma_wait3A_275] : memref<5x128xi32, #tpu.memory_space<vmem>> -> memref<1x128xi32, #tpu.memory_space<vmem>>
    %dma_wait3A_277 = tpu.memref_squeeze %dma_wait3A_276 : memref<1x128xi32, #tpu.memory_space<vmem>> -> memref<128xi32, #tpu.memory_space<vmem>>
    %dma_wait3A_278 = arith.constant 0 : i32
    %dma_wait3A_279 = arith.constant 0 : i32
    %dma_wait3A_280 = tpu.memref_slice %arg3[%dma_wait3A_278, %dma_wait3A_279] : memref<1000001x128xf32, #tpu.memory_space<hbm>> -> memref<1000001x128xf32, #tpu.memory_space<hbm>>
    %dma_wait3A_281 = tpu.memref_slice %arg8[%dma_wait3A_270] : memref<5x!tpu.dma_semaphore, #tpu.memory_space<semaphore_mem>> -> memref<1x!tpu.dma_semaphore, #tpu.memory_space<semaphore_mem>>
    %dma_wait3A_282 = tpu.memref_squeeze %dma_wait3A_281 : memref<1x!tpu.dma_semaphore, #tpu.memory_space<semaphore_mem>> -> memref<!tpu.dma_semaphore, #tpu.memory_space<semaphore_mem>>
    tpu.wait_indirect_dma semaphore(%dma_wait3A_282 : memref<!tpu.dma_semaphore, #tpu.memory_space<semaphore_mem>>) src(%dma_wait3A_280 : memref<1000001x128xf32, #tpu.memory_space<hbm>>) dst(%dma_wait3A_274 : memref<128x128xf32, #tpu.memory_space<vmem>>)
    %add3A_283 = arith.constant 25088 : i32
    %add3A_284 = arith.addi %mul3A_2, %add3A_283 : i32
    %dma_start3A_285 = arith.constant 1 : i32
    %dma_start3A_286 = arith.constant 1 : i32
    %dma_start3A_287 = arith.constant 0 : i32
    %dma_start3A_288 = arith.constant 0 : i32
    %dma_start3A_289 = tpu.memref_slice %arg6[%dma_start3A_285, %dma_start3A_287, %dma_start3A_288] : memref<5x128x128xf32, #tpu.memory_space<vmem>> -> memref<1x128x64xf32, #tpu.memory_space<vmem>>
    %dma_start3A_290 = tpu.memref_squeeze %dma_start3A_289 : memref<1x128x64xf32, #tpu.memory_space<vmem>> -> memref<128x64xf32, #tpu.memory_space<vmem>>
    %dma_start3A_291 = arith.constant 0 : i32
    %dma_start3A_292 = tpu.memref_slice %arg4[%add3A_284, %dma_start3A_291] : memref<819200x128xf32, #tpu.memory_space<hbm>> -> memref<128x64xf32, #tpu.memory_space<hbm>>
    %dma_start3A_293 = tpu.memref_slice %arg9[%dma_start3A_286] : memref<5x!tpu.dma_semaphore, #tpu.memory_space<semaphore_mem>> -> memref<1x!tpu.dma_semaphore, #tpu.memory_space<semaphore_mem>>
    %dma_start3A_294 = tpu.memref_squeeze %dma_start3A_293 : memref<1x!tpu.dma_semaphore, #tpu.memory_space<semaphore_mem>> -> memref<!tpu.dma_semaphore, #tpu.memory_space<semaphore_mem>>
    %dma_start3A_295 = arith.constant 0 : i32
    %dma_start3A_296 = tpu.memref_slice %arg4[%add3A_284, %dma_start3A_295] : memref<819200x128xf32, #tpu.memory_space<hbm>> -> memref<128x64xf32, #tpu.memory_space<hbm>>
    %dma_start3A_297 = arith.constant 0 : i32
    %dma_start3A_298 = arith.constant 0 : i32
    %dma_start3A_299 = tpu.memref_slice %arg6[%dma_start3A_285, %dma_start3A_297, %dma_start3A_298] : memref<5x128x128xf32, #tpu.memory_space<vmem>> -> memref<1x128x64xf32, #tpu.memory_space<vmem>>
    %dma_start3A_300 = tpu.memref_squeeze %dma_start3A_299 : memref<1x128x64xf32, #tpu.memory_space<vmem>> -> memref<128x64xf32, #tpu.memory_space<vmem>>
    tpu.enqueue_dma source(%dma_start3A_300 : memref<128x64xf32, #tpu.memory_space<vmem>>) target(%dma_start3A_296 : memref<128x64xf32, #tpu.memory_space<hbm>>) target_semaphore(%dma_start3A_294 : memref<!tpu.dma_semaphore, #tpu.memory_space<semaphore_mem>>)
    %dma_wait3A_301 = arith.constant 2 : i32
    %dma_wait3A_302 = arith.constant 2 : i32
    %dma_wait3A_303 = arith.constant 2 : i32
    %dma_wait3A_304 = arith.constant 0 : i32
    %dma_wait3A_305 = arith.constant 0 : i32
    %dma_wait3A_306 = tpu.memref_slice %arg6[%dma_wait3A_302, %dma_wait3A_304, %dma_wait3A_305] : memref<5x128x128xf32, #tpu.memory_space<vmem>> -> memref<1x128x128xf32, #tpu.memory_space<vmem>>
    %dma_wait3A_307 = tpu.memref_squeeze %dma_wait3A_306 : memref<1x128x128xf32, #tpu.memory_space<vmem>> -> memref<128x128xf32, #tpu.memory_space<vmem>>
    %dma_wait3A_308 = arith.constant 0 : i32
    %dma_wait3A_309 = tpu.memref_slice %arg5[%dma_wait3A_301, %dma_wait3A_308] : memref<5x128xi32, #tpu.memory_space<vmem>> -> memref<1x128xi32, #tpu.memory_space<vmem>>
    %dma_wait3A_310 = tpu.memref_squeeze %dma_wait3A_309 : memref<1x128xi32, #tpu.memory_space<vmem>> -> memref<128xi32, #tpu.memory_space<vmem>>
    %dma_wait3A_311 = arith.constant 0 : i32
    %dma_wait3A_312 = arith.constant 0 : i32
    %dma_wait3A_313 = tpu.memref_slice %arg3[%dma_wait3A_311, %dma_wait3A_312] : memref<1000001x128xf32, #tpu.memory_space<hbm>> -> memref<1000001x128xf32, #tpu.memory_space<hbm>>
    %dma_wait3A_314 = tpu.memref_slice %arg8[%dma_wait3A_303] : memref<5x!tpu.dma_semaphore, #tpu.memory_space<semaphore_mem>> -> memref<1x!tpu.dma_semaphore, #tpu.memory_space<semaphore_mem>>
    %dma_wait3A_315 = tpu.memref_squeeze %dma_wait3A_314 : memref<1x!tpu.dma_semaphore, #tpu.memory_space<semaphore_mem>> -> memref<!tpu.dma_semaphore, #tpu.memory_space<semaphore_mem>>
    tpu.wait_indirect_dma semaphore(%dma_wait3A_315 : memref<!tpu.dma_semaphore, #tpu.memory_space<semaphore_mem>>) src(%dma_wait3A_313 : memref<1000001x128xf32, #tpu.memory_space<hbm>>) dst(%dma_wait3A_307 : memref<128x128xf32, #tpu.memory_space<vmem>>)
    %add3A_316 = arith.constant 25216 : i32
    %add3A_317 = arith.addi %mul3A_2, %add3A_316 : i32
    %dma_start3A_318 = arith.constant 2 : i32
    %dma_start3A_319 = arith.constant 2 : i32
    %dma_start3A_320 = arith.constant 0 : i32
    %dma_start3A_321 = arith.constant 0 : i32
    %dma_start3A_322 = tpu.memref_slice %arg6[%dma_start3A_318, %dma_start3A_320, %dma_start3A_321] : memref<5x128x128xf32, #tpu.memory_space<vmem>> -> memref<1x128x64xf32, #tpu.memory_space<vmem>>
    %dma_start3A_323 = tpu.memref_squeeze %dma_start3A_322 : memref<1x128x64xf32, #tpu.memory_space<vmem>> -> memref<128x64xf32, #tpu.memory_space<vmem>>
    %dma_start3A_324 = arith.constant 0 : i32
    %dma_start3A_325 = tpu.memref_slice %arg4[%add3A_317, %dma_start3A_324] : memref<819200x128xf32, #tpu.memory_space<hbm>> -> memref<128x64xf32, #tpu.memory_space<hbm>>
    %dma_start3A_326 = tpu.memref_slice %arg9[%dma_start3A_319] : memref<5x!tpu.dma_semaphore, #tpu.memory_space<semaphore_mem>> -> memref<1x!tpu.dma_semaphore, #tpu.memory_space<semaphore_mem>>
    %dma_start3A_327 = tpu.memref_squeeze %dma_start3A_326 : memref<1x!tpu.dma_semaphore, #tpu.memory_space<semaphore_mem>> -> memref<!tpu.dma_semaphore, #tpu.memory_space<semaphore_mem>>
    %dma_start3A_328 = arith.constant 0 : i32
    %dma_start3A_329 = tpu.memref_slice %arg4[%add3A_317, %dma_start3A_328] : memref<819200x128xf32, #tpu.memory_space<hbm>> -> memref<128x64xf32, #tpu.memory_space<hbm>>
    %dma_start3A_330 = arith.constant 0 : i32
    %dma_start3A_331 = arith.constant 0 : i32
    %dma_start3A_332 = tpu.memref_slice %arg6[%dma_start3A_318, %dma_start3A_330, %dma_start3A_331] : memref<5x128x128xf32, #tpu.memory_space<vmem>> -> memref<1x128x64xf32, #tpu.memory_space<vmem>>
    %dma_start3A_333 = tpu.memref_squeeze %dma_start3A_332 : memref<1x128x64xf32, #tpu.memory_space<vmem>> -> memref<128x64xf32, #tpu.memory_space<vmem>>
    tpu.enqueue_dma source(%dma_start3A_333 : memref<128x64xf32, #tpu.memory_space<vmem>>) target(%dma_start3A_329 : memref<128x64xf32, #tpu.memory_space<hbm>>) target_semaphore(%dma_start3A_327 : memref<!tpu.dma_semaphore, #tpu.memory_space<semaphore_mem>>)
    %dma_wait3A_334 = arith.constant 3 : i32
    %dma_wait3A_335 = arith.constant 3 : i32
    %dma_wait3A_336 = arith.constant 3 : i32
    %dma_wait3A_337 = arith.constant 0 : i32
    %dma_wait3A_338 = arith.constant 0 : i32
    %dma_wait3A_339 = tpu.memref_slice %arg6[%dma_wait3A_335, %dma_wait3A_337, %dma_wait3A_338] : memref<5x128x128xf32, #tpu.memory_space<vmem>> -> memref<1x128x128xf32, #tpu.memory_space<vmem>>
    %dma_wait3A_340 = tpu.memref_squeeze %dma_wait3A_339 : memref<1x128x128xf32, #tpu.memory_space<vmem>> -> memref<128x128xf32, #tpu.memory_space<vmem>>
    %dma_wait3A_341 = arith.constant 0 : i32
    %dma_wait3A_342 = tpu.memref_slice %arg5[%dma_wait3A_334, %dma_wait3A_341] : memref<5x128xi32, #tpu.memory_space<vmem>> -> memref<1x128xi32, #tpu.memory_space<vmem>>
    %dma_wait3A_343 = tpu.memref_squeeze %dma_wait3A_342 : memref<1x128xi32, #tpu.memory_space<vmem>> -> memref<128xi32, #tpu.memory_space<vmem>>
    %dma_wait3A_344 = arith.constant 0 : i32
    %dma_wait3A_345 = arith.constant 0 : i32
    %dma_wait3A_346 = tpu.memref_slice %arg3[%dma_wait3A_344, %dma_wait3A_345] : memref<1000001x128xf32, #tpu.memory_space<hbm>> -> memref<1000001x128xf32, #tpu.memory_space<hbm>>
    %dma_wait3A_347 = tpu.memref_slice %arg8[%dma_wait3A_336] : memref<5x!tpu.dma_semaphore, #tpu.memory_space<semaphore_mem>> -> memref<1x!tpu.dma_semaphore, #tpu.memory_space<semaphore_mem>>
    %dma_wait3A_348 = tpu.memref_squeeze %dma_wait3A_347 : memref<1x!tpu.dma_semaphore, #tpu.memory_space<semaphore_mem>> -> memref<!tpu.dma_semaphore, #tpu.memory_space<semaphore_mem>>
    tpu.wait_indirect_dma semaphore(%dma_wait3A_348 : memref<!tpu.dma_semaphore, #tpu.memory_space<semaphore_mem>>) src(%dma_wait3A_346 : memref<1000001x128xf32, #tpu.memory_space<hbm>>) dst(%dma_wait3A_340 : memref<128x128xf32, #tpu.memory_space<vmem>>)
    %add3A_349 = arith.constant 25344 : i32
    %add3A_350 = arith.addi %mul3A_2, %add3A_349 : i32
    %dma_start3A_351 = arith.constant 3 : i32
    %dma_start3A_352 = arith.constant 3 : i32
    %dma_start3A_353 = arith.constant 0 : i32
    %dma_start3A_354 = arith.constant 0 : i32
    %dma_start3A_355 = tpu.memref_slice %arg6[%dma_start3A_351, %dma_start3A_353, %dma_start3A_354] : memref<5x128x128xf32, #tpu.memory_space<vmem>> -> memref<1x128x64xf32, #tpu.memory_space<vmem>>
    %dma_start3A_356 = tpu.memref_squeeze %dma_start3A_355 : memref<1x128x64xf32, #tpu.memory_space<vmem>> -> memref<128x64xf32, #tpu.memory_space<vmem>>
    %dma_start3A_357 = arith.constant 0 : i32
    %dma_start3A_358 = tpu.memref_slice %arg4[%add3A_350, %dma_start3A_357] : memref<819200x128xf32, #tpu.memory_space<hbm>> -> memref<128x64xf32, #tpu.memory_space<hbm>>
    %dma_start3A_359 = tpu.memref_slice %arg9[%dma_start3A_352] : memref<5x!tpu.dma_semaphore, #tpu.memory_space<semaphore_mem>> -> memref<1x!tpu.dma_semaphore, #tpu.memory_space<semaphore_mem>>
    %dma_start3A_360 = tpu.memref_squeeze %dma_start3A_359 : memref<1x!tpu.dma_semaphore, #tpu.memory_space<semaphore_mem>> -> memref<!tpu.dma_semaphore, #tpu.memory_space<semaphore_mem>>
    %dma_start3A_361 = arith.constant 0 : i32
    %dma_start3A_362 = tpu.memref_slice %arg4[%add3A_350, %dma_start3A_361] : memref<819200x128xf32, #tpu.memory_space<hbm>> -> memref<128x64xf32, #tpu.memory_space<hbm>>
    %dma_start3A_363 = arith.constant 0 : i32
    %dma_start3A_364 = arith.constant 0 : i32
    %dma_start3A_365 = tpu.memref_slice %arg6[%dma_start3A_351, %dma_start3A_363, %dma_start3A_364] : memref<5x128x128xf32, #tpu.memory_space<vmem>> -> memref<1x128x64xf32, #tpu.memory_space<vmem>>
    %dma_start3A_366 = tpu.memref_squeeze %dma_start3A_365 : memref<1x128x64xf32, #tpu.memory_space<vmem>> -> memref<128x64xf32, #tpu.memory_space<vmem>>
    tpu.enqueue_dma source(%dma_start3A_366 : memref<128x64xf32, #tpu.memory_space<vmem>>) target(%dma_start3A_362 : memref<128x64xf32, #tpu.memory_space<hbm>>) target_semaphore(%dma_start3A_360 : memref<!tpu.dma_semaphore, #tpu.memory_space<semaphore_mem>>)
    %dma_wait3A_367 = arith.constant 4 : i32
    %dma_wait3A_368 = arith.constant 4 : i32
    %dma_wait3A_369 = arith.constant 4 : i32
    %dma_wait3A_370 = arith.constant 0 : i32
    %dma_wait3A_371 = arith.constant 0 : i32
    %dma_wait3A_372 = tpu.memref_slice %arg6[%dma_wait3A_368, %dma_wait3A_370, %dma_wait3A_371] : memref<5x128x128xf32, #tpu.memory_space<vmem>> -> memref<1x128x128xf32, #tpu.memory_space<vmem>>
    %dma_wait3A_373 = tpu.memref_squeeze %dma_wait3A_372 : memref<1x128x128xf32, #tpu.memory_space<vmem>> -> memref<128x128xf32, #tpu.memory_space<vmem>>
    %dma_wait3A_374 = arith.constant 0 : i32
    %dma_wait3A_375 = tpu.memref_slice %arg5[%dma_wait3A_367, %dma_wait3A_374] : memref<5x128xi32, #tpu.memory_space<vmem>> -> memref<1x128xi32, #tpu.memory_space<vmem>>
    %dma_wait3A_376 = tpu.memref_squeeze %dma_wait3A_375 : memref<1x128xi32, #tpu.memory_space<vmem>> -> memref<128xi32, #tpu.memory_space<vmem>>
    %dma_wait3A_377 = arith.constant 0 : i32
    %dma_wait3A_378 = arith.constant 0 : i32
    %dma_wait3A_379 = tpu.memref_slice %arg3[%dma_wait3A_377, %dma_wait3A_378] : memref<1000001x128xf32, #tpu.memory_space<hbm>> -> memref<1000001x128xf32, #tpu.memory_space<hbm>>
    %dma_wait3A_380 = tpu.memref_slice %arg8[%dma_wait3A_369] : memref<5x!tpu.dma_semaphore, #tpu.memory_space<semaphore_mem>> -> memref<1x!tpu.dma_semaphore, #tpu.memory_space<semaphore_mem>>
    %dma_wait3A_381 = tpu.memref_squeeze %dma_wait3A_380 : memref<1x!tpu.dma_semaphore, #tpu.memory_space<semaphore_mem>> -> memref<!tpu.dma_semaphore, #tpu.memory_space<semaphore_mem>>
    tpu.wait_indirect_dma semaphore(%dma_wait3A_381 : memref<!tpu.dma_semaphore, #tpu.memory_space<semaphore_mem>>) src(%dma_wait3A_379 : memref<1000001x128xf32, #tpu.memory_space<hbm>>) dst(%dma_wait3A_373 : memref<128x128xf32, #tpu.memory_space<vmem>>)
    %add3A_382 = arith.constant 25472 : i32
    %add3A_383 = arith.addi %mul3A_2, %add3A_382 : i32
    %dma_start3A_384 = arith.constant 4 : i32
    %dma_start3A_385 = arith.constant 4 : i32
    %dma_start3A_386 = arith.constant 0 : i32
    %dma_start3A_387 = arith.constant 0 : i32
    %dma_start3A_388 = tpu.memref_slice %arg6[%dma_start3A_384, %dma_start3A_386, %dma_start3A_387] : memref<5x128x128xf32, #tpu.memory_space<vmem>> -> memref<1x128x64xf32, #tpu.memory_space<vmem>>
    %dma_start3A_389 = tpu.memref_squeeze %dma_start3A_388 : memref<1x128x64xf32, #tpu.memory_space<vmem>> -> memref<128x64xf32, #tpu.memory_space<vmem>>
    %dma_start3A_390 = arith.constant 0 : i32
    %dma_start3A_391 = tpu.memref_slice %arg4[%add3A_383, %dma_start3A_390] : memref<819200x128xf32, #tpu.memory_space<hbm>> -> memref<128x64xf32, #tpu.memory_space<hbm>>
    %dma_start3A_392 = tpu.memref_slice %arg9[%dma_start3A_385] : memref<5x!tpu.dma_semaphore, #tpu.memory_space<semaphore_mem>> -> memref<1x!tpu.dma_semaphore, #tpu.memory_space<semaphore_mem>>
    %dma_start3A_393 = tpu.memref_squeeze %dma_start3A_392 : memref<1x!tpu.dma_semaphore, #tpu.memory_space<semaphore_mem>> -> memref<!tpu.dma_semaphore, #tpu.memory_space<semaphore_mem>>
    %dma_start3A_394 = arith.constant 0 : i32
    %dma_start3A_395 = tpu.memref_slice %arg4[%add3A_383, %dma_start3A_394] : memref<819200x128xf32, #tpu.memory_space<hbm>> -> memref<128x64xf32, #tpu.memory_space<hbm>>
    %dma_start3A_396 = arith.constant 0 : i32
    %dma_start3A_397 = arith.constant 0 : i32
    %dma_start3A_398 = tpu.memref_slice %arg6[%dma_start3A_384, %dma_start3A_396, %dma_start3A_397] : memref<5x128x128xf32, #tpu.memory_space<vmem>> -> memref<1x128x64xf32, #tpu.memory_space<vmem>>
    %dma_start3A_399 = tpu.memref_squeeze %dma_start3A_398 : memref<1x128x64xf32, #tpu.memory_space<vmem>> -> memref<128x64xf32, #tpu.memory_space<vmem>>
    tpu.enqueue_dma source(%dma_start3A_399 : memref<128x64xf32, #tpu.memory_space<vmem>>) target(%dma_start3A_395 : memref<128x64xf32, #tpu.memory_space<hbm>>) target_semaphore(%dma_start3A_393 : memref<!tpu.dma_semaphore, #tpu.memory_space<semaphore_mem>>)
    %dma_wait3A_400 = arith.constant 0 : i32
    %dma_wait3A_401 = arith.constant 0 : i32
    %dma_wait3A_402 = arith.constant 0 : i32
    %dma_wait3A_403 = arith.constant 0 : i32
    %dma_wait3A_404 = tpu.memref_slice %arg6[%dma_wait3A_400, %dma_wait3A_402, %dma_wait3A_403] : memref<5x128x128xf32, #tpu.memory_space<vmem>> -> memref<1x128x64xf32, #tpu.memory_space<vmem>>
    %dma_wait3A_405 = tpu.memref_squeeze %dma_wait3A_404 : memref<1x128x64xf32, #tpu.memory_space<vmem>> -> memref<128x64xf32, #tpu.memory_space<vmem>>
    %dma_wait3A_406 = arith.constant 0 : i32
    %dma_wait3A_407 = arith.constant 0 : i32
    %dma_wait3A_408 = tpu.memref_slice %arg4[%dma_wait3A_406, %dma_wait3A_407] : memref<819200x128xf32, #tpu.memory_space<hbm>> -> memref<128x64xf32, #tpu.memory_space<hbm>>
    %dma_wait3A_409 = tpu.memref_slice %arg9[%dma_wait3A_401] : memref<5x!tpu.dma_semaphore, #tpu.memory_space<semaphore_mem>> -> memref<1x!tpu.dma_semaphore, #tpu.memory_space<semaphore_mem>>
    %dma_wait3A_410 = tpu.memref_squeeze %dma_wait3A_409 : memref<1x!tpu.dma_semaphore, #tpu.memory_space<semaphore_mem>> -> memref<!tpu.dma_semaphore, #tpu.memory_space<semaphore_mem>>
    %dma_wait3A_411 = arith.constant 0 : i32
    %dma_wait3A_412 = arith.constant 0 : i32
    %dma_wait3A_413 = tpu.memref_slice %arg4[%dma_wait3A_411, %dma_wait3A_412] : memref<819200x128xf32, #tpu.memory_space<hbm>> -> memref<128x64xf32, #tpu.memory_space<hbm>>
    %dma_wait3A_414 = arith.constant 0 : i32
    %dma_wait3A_415 = arith.constant 0 : i32
    %dma_wait3A_416 = tpu.memref_slice %arg6[%dma_wait3A_400, %dma_wait3A_414, %dma_wait3A_415] : memref<5x128x128xf32, #tpu.memory_space<vmem>> -> memref<1x128x64xf32, #tpu.memory_space<vmem>>
    %dma_wait3A_417 = tpu.memref_squeeze %dma_wait3A_416 : memref<1x128x64xf32, #tpu.memory_space<vmem>> -> memref<128x64xf32, #tpu.memory_space<vmem>>
    tpu.wait_dma2 semaphore(%dma_wait3A_410 : memref<!tpu.dma_semaphore, #tpu.memory_space<semaphore_mem>>) src(%dma_wait3A_417 : memref<128x64xf32, #tpu.memory_space<vmem>>) dst(%dma_wait3A_413 : memref<128x64xf32, #tpu.memory_space<hbm>>)
    %dma_wait3A_418 = arith.constant 1 : i32
    %dma_wait3A_419 = arith.constant 1 : i32
    %dma_wait3A_420 = arith.constant 0 : i32
    %dma_wait3A_421 = arith.constant 0 : i32
    %dma_wait3A_422 = tpu.memref_slice %arg6[%dma_wait3A_418, %dma_wait3A_420, %dma_wait3A_421] : memref<5x128x128xf32, #tpu.memory_space<vmem>> -> memref<1x128x64xf32, #tpu.memory_space<vmem>>
    %dma_wait3A_423 = tpu.memref_squeeze %dma_wait3A_422 : memref<1x128x64xf32, #tpu.memory_space<vmem>> -> memref<128x64xf32, #tpu.memory_space<vmem>>
    %dma_wait3A_424 = arith.constant 0 : i32
    %dma_wait3A_425 = arith.constant 0 : i32
    %dma_wait3A_426 = tpu.memref_slice %arg4[%dma_wait3A_424, %dma_wait3A_425] : memref<819200x128xf32, #tpu.memory_space<hbm>> -> memref<128x64xf32, #tpu.memory_space<hbm>>
    %dma_wait3A_427 = tpu.memref_slice %arg9[%dma_wait3A_419] : memref<5x!tpu.dma_semaphore, #tpu.memory_space<semaphore_mem>> -> memref<1x!tpu.dma_semaphore, #tpu.memory_space<semaphore_mem>>
    %dma_wait3A_428 = tpu.memref_squeeze %dma_wait3A_427 : memref<1x!tpu.dma_semaphore, #tpu.memory_space<semaphore_mem>> -> memref<!tpu.dma_semaphore, #tpu.memory_space<semaphore_mem>>
    %dma_wait3A_429 = arith.constant 0 : i32
    %dma_wait3A_430 = arith.constant 0 : i32
    %dma_wait3A_431 = tpu.memref_slice %arg4[%dma_wait3A_429, %dma_wait3A_430] : memref<819200x128xf32, #tpu.memory_space<hbm>> -> memref<128x64xf32, #tpu.memory_space<hbm>>
    %dma_wait3A_432 = arith.constant 0 : i32
    %dma_wait3A_433 = arith.constant 0 : i32
    %dma_wait3A_434 = tpu.memref_slice %arg6[%dma_wait3A_418, %dma_wait3A_432, %dma_wait3A_433] : memref<5x128x128xf32, #tpu.memory_space<vmem>> -> memref<1x128x64xf32, #tpu.memory_space<vmem>>
    %dma_wait3A_435 = tpu.memref_squeeze %dma_wait3A_434 : memref<1x128x64xf32, #tpu.memory_space<vmem>> -> memref<128x64xf32, #tpu.memory_space<vmem>>
    tpu.wait_dma2 semaphore(%dma_wait3A_428 : memref<!tpu.dma_semaphore, #tpu.memory_space<semaphore_mem>>) src(%dma_wait3A_435 : memref<128x64xf32, #tpu.memory_space<vmem>>) dst(%dma_wait3A_431 : memref<128x64xf32, #tpu.memory_space<hbm>>)
    %dma_wait3A_436 = arith.constant 2 : i32
    %dma_wait3A_437 = arith.constant 2 : i32
    %dma_wait3A_438 = arith.constant 0 : i32
    %dma_wait3A_439 = arith.constant 0 : i32
    %dma_wait3A_440 = tpu.memref_slice %arg6[%dma_wait3A_436, %dma_wait3A_438, %dma_wait3A_439] : memref<5x128x128xf32, #tpu.memory_space<vmem>> -> memref<1x128x64xf32, #tpu.memory_space<vmem>>
    %dma_wait3A_441 = tpu.memref_squeeze %dma_wait3A_440 : memref<1x128x64xf32, #tpu.memory_space<vmem>> -> memref<128x64xf32, #tpu.memory_space<vmem>>
    %dma_wait3A_442 = arith.constant 0 : i32
    %dma_wait3A_443 = arith.constant 0 : i32
    %dma_wait3A_444 = tpu.memref_slice %arg4[%dma_wait3A_442, %dma_wait3A_443] : memref<819200x128xf32, #tpu.memory_space<hbm>> -> memref<128x64xf32, #tpu.memory_space<hbm>>
    %dma_wait3A_445 = tpu.memref_slice %arg9[%dma_wait3A_437] : memref<5x!tpu.dma_semaphore, #tpu.memory_space<semaphore_mem>> -> memref<1x!tpu.dma_semaphore, #tpu.memory_space<semaphore_mem>>
    %dma_wait3A_446 = tpu.memref_squeeze %dma_wait3A_445 : memref<1x!tpu.dma_semaphore, #tpu.memory_space<semaphore_mem>> -> memref<!tpu.dma_semaphore, #tpu.memory_space<semaphore_mem>>
    %dma_wait3A_447 = arith.constant 0 : i32
    %dma_wait3A_448 = arith.constant 0 : i32
    %dma_wait3A_449 = tpu.memref_slice %arg4[%dma_wait3A_447, %dma_wait3A_448] : memref<819200x128xf32, #tpu.memory_space<hbm>> -> memref<128x64xf32, #tpu.memory_space<hbm>>
    %dma_wait3A_450 = arith.constant 0 : i32
    %dma_wait3A_451 = arith.constant 0 : i32
    %dma_wait3A_452 = tpu.memref_slice %arg6[%dma_wait3A_436, %dma_wait3A_450, %dma_wait3A_451] : memref<5x128x128xf32, #tpu.memory_space<vmem>> -> memref<1x128x64xf32, #tpu.memory_space<vmem>>
    %dma_wait3A_453 = tpu.memref_squeeze %dma_wait3A_452 : memref<1x128x64xf32, #tpu.memory_space<vmem>> -> memref<128x64xf32, #tpu.memory_space<vmem>>
    tpu.wait_dma2 semaphore(%dma_wait3A_446 : memref<!tpu.dma_semaphore, #tpu.memory_space<semaphore_mem>>) src(%dma_wait3A_453 : memref<128x64xf32, #tpu.memory_space<vmem>>) dst(%dma_wait3A_449 : memref<128x64xf32, #tpu.memory_space<hbm>>)
    %dma_wait3A_454 = arith.constant 3 : i32
    %dma_wait3A_455 = arith.constant 3 : i32
    %dma_wait3A_456 = arith.constant 0 : i32
    %dma_wait3A_457 = arith.constant 0 : i32
    %dma_wait3A_458 = tpu.memref_slice %arg6[%dma_wait3A_454, %dma_wait3A_456, %dma_wait3A_457] : memref<5x128x128xf32, #tpu.memory_space<vmem>> -> memref<1x128x64xf32, #tpu.memory_space<vmem>>
    %dma_wait3A_459 = tpu.memref_squeeze %dma_wait3A_458 : memref<1x128x64xf32, #tpu.memory_space<vmem>> -> memref<128x64xf32, #tpu.memory_space<vmem>>
    %dma_wait3A_460 = arith.constant 0 : i32
    %dma_wait3A_461 = arith.constant 0 : i32
    %dma_wait3A_462 = tpu.memref_slice %arg4[%dma_wait3A_460, %dma_wait3A_461] : memref<819200x128xf32, #tpu.memory_space<hbm>> -> memref<128x64xf32, #tpu.memory_space<hbm>>
    %dma_wait3A_463 = tpu.memref_slice %arg9[%dma_wait3A_455] : memref<5x!tpu.dma_semaphore, #tpu.memory_space<semaphore_mem>> -> memref<1x!tpu.dma_semaphore, #tpu.memory_space<semaphore_mem>>
    %dma_wait3A_464 = tpu.memref_squeeze %dma_wait3A_463 : memref<1x!tpu.dma_semaphore, #tpu.memory_space<semaphore_mem>> -> memref<!tpu.dma_semaphore, #tpu.memory_space<semaphore_mem>>
    %dma_wait3A_465 = arith.constant 0 : i32
    %dma_wait3A_466 = arith.constant 0 : i32
    %dma_wait3A_467 = tpu.memref_slice %arg4[%dma_wait3A_465, %dma_wait3A_466] : memref<819200x128xf32, #tpu.memory_space<hbm>> -> memref<128x64xf32, #tpu.memory_space<hbm>>
    %dma_wait3A_468 = arith.constant 0 : i32
    %dma_wait3A_469 = arith.constant 0 : i32
    %dma_wait3A_470 = tpu.memref_slice %arg6[%dma_wait3A_454, %dma_wait3A_468, %dma_wait3A_469] : memref<5x128x128xf32, #tpu.memory_space<vmem>> -> memref<1x128x64xf32, #tpu.memory_space<vmem>>
    %dma_wait3A_471 = tpu.memref_squeeze %dma_wait3A_470 : memref<1x128x64xf32, #tpu.memory_space<vmem>> -> memref<128x64xf32, #tpu.memory_space<vmem>>
    tpu.wait_dma2 semaphore(%dma_wait3A_464 : memref<!tpu.dma_semaphore, #tpu.memory_space<semaphore_mem>>) src(%dma_wait3A_471 : memref<128x64xf32, #tpu.memory_space<vmem>>) dst(%dma_wait3A_467 : memref<128x64xf32, #tpu.memory_space<hbm>>)
    %dma_wait3A_472 = arith.constant 4 : i32
    %dma_wait3A_473 = arith.constant 4 : i32
    %dma_wait3A_474 = arith.constant 0 : i32
    %dma_wait3A_475 = arith.constant 0 : i32
    %dma_wait3A_476 = tpu.memref_slice %arg6[%dma_wait3A_472, %dma_wait3A_474, %dma_wait3A_475] : memref<5x128x128xf32, #tpu.memory_space<vmem>> -> memref<1x128x64xf32, #tpu.memory_space<vmem>>
    %dma_wait3A_477 = tpu.memref_squeeze %dma_wait3A_476 : memref<1x128x64xf32, #tpu.memory_space<vmem>> -> memref<128x64xf32, #tpu.memory_space<vmem>>
    %dma_wait3A_478 = arith.constant 0 : i32
    %dma_wait3A_479 = arith.constant 0 : i32
    %dma_wait3A_480 = tpu.memref_slice %arg4[%dma_wait3A_478, %dma_wait3A_479] : memref<819200x128xf32, #tpu.memory_space<hbm>> -> memref<128x64xf32, #tpu.memory_space<hbm>>
    %dma_wait3A_481 = tpu.memref_slice %arg9[%dma_wait3A_473] : memref<5x!tpu.dma_semaphore, #tpu.memory_space<semaphore_mem>> -> memref<1x!tpu.dma_semaphore, #tpu.memory_space<semaphore_mem>>
    %dma_wait3A_482 = tpu.memref_squeeze %dma_wait3A_481 : memref<1x!tpu.dma_semaphore, #tpu.memory_space<semaphore_mem>> -> memref<!tpu.dma_semaphore, #tpu.memory_space<semaphore_mem>>
    %dma_wait3A_483 = arith.constant 0 : i32
    %dma_wait3A_484 = arith.constant 0 : i32
    %dma_wait3A_485 = tpu.memref_slice %arg4[%dma_wait3A_483, %dma_wait3A_484] : memref<819200x128xf32, #tpu.memory_space<hbm>> -> memref<128x64xf32, #tpu.memory_space<hbm>>
    %dma_wait3A_486 = arith.constant 0 : i32
    %dma_wait3A_487 = arith.constant 0 : i32
    %dma_wait3A_488 = tpu.memref_slice %arg6[%dma_wait3A_472, %dma_wait3A_486, %dma_wait3A_487] : memref<5x128x128xf32, #tpu.memory_space<vmem>> -> memref<1x128x64xf32, #tpu.memory_space<vmem>>
    %dma_wait3A_489 = tpu.memref_squeeze %dma_wait3A_488 : memref<1x128x64xf32, #tpu.memory_space<vmem>> -> memref<128x64xf32, #tpu.memory_space<vmem>>
    tpu.wait_dma2 semaphore(%dma_wait3A_482 : memref<!tpu.dma_semaphore, #tpu.memory_space<semaphore_mem>>) src(%dma_wait3A_489 : memref<128x64xf32, #tpu.memory_space<vmem>>) dst(%dma_wait3A_485 : memref<128x64xf32, #tpu.memory_space<hbm>>)
    return
  }
}

</mosaic_0001>

<sc_bundles>
// kernel: kernel.3.cloned.1.call-start
scs
__scs_entry_jumppad:
0x0: {  	(pc) =	sbr.rel $0x88, $3  }
0x1: {  	(tag) =	ssettag $0x0;
	lr =	simm.s32 $0x1  }
0x2: {  	[smem:$0x3F9F] =	sst lr;
	_ =	strace $0xD0000000  }
0x3: {  	_ = 	snop  }
0x4: {  	_ = 	snop  }
0x5: {  	_ = 	snop  }
0x6: {  	_ = 	snop  }
0x7: {  	_ = 	snop  }
__scs_overlays_trampoline_lowered:
0x8: {  	[smem:$0x3FAE] =	sst s0  }
0x9: {  	[smem:$0x3FAF] =	sst s1  }
0xa: {  	[smem:$0x3FB0] =	sst s2  }
0xb: {  	[smem:$0x3FB1] =	sst s3  }
0xc: {  	[smem:$0x3FB2] =	sst s4  }
0xd: {  	[smem:$0x3FB3] =	sst s5  }
0xe: {  	[smem:$0x3FB4] =	sst s6  }
0xf: {  	[smem:$0x3FB5] =	sst s7  }
0x10: {  	[smem:$0x3FB6] =	sst s8  }
0x11: {  	[smem:$0x3FB7] =	sst s9;
	s0 =	simm.s32 @!p0 $0x0  }
0x12: {  	s1 =	sld [smem:$0x3F9D];
	s0 =	simm.s32 @p0 $0x1  }
0x13: {  	[smem:$0x3FB8] =	sst s0;
	s0 =	simm.s32 @!p1 $0x0  }
0x14: {  	s2 =	sld [smem:$0x3F9C];
	s0 =	simm.s32 @p1 $0x1  }
0x15: {  	[smem:$0x3FB9] =	sst s0;
	s0 =	simm.s32 @!p2 $0x0  }
0x16: {  	s3 =	sld [smem:$0x3FDB];
	s0 =	simm.s32 @p2 $0x1  }
0x17: {  	s4 =	simm.s32 $0x1BF5;
	[smem:$0x3FBB] =	sst s0  }
0x18: {  	s0 =	sld [smem:$0x3F9E];
	_ =	swait.ge [sflag:s4], $0x0  }
0x19: {  	s7 =	sld [smem:$0x3F9F]  }
0x1a: {  	s8 =	sadd.s32 $0xFFFFE003, lr  }
0x1b: {  	s9 =	sadd.s32 $0xFFFFFEF7, lr;
	s5 =	simm.s32 $0xFFFFFFFF;
	p2 =	slt.u32 s8, $0xFFFFF086  }
0x1c: {  	p1 =	slt.u32 s9, $0xF7A;
	s5 =	simm.s32 @!p2 $0x0  }
0x1d: {  	s5 =	simm.s32 @p1 $0x1;
	p0 =	seq.s32 s7, s2  }
0x1e: {  	s7 =	smul.u32 @!p0 $0xF7A, s2;
	p2 =	seq.s32 @!p0 s5, $0x0  }
0x1f: {  	s9 =	smul.u32 $0xF7A, s1;
	s8 =	simm.s32 @!p0 $0x1BF5;
	p2 =	por !p2, p0  }
0x20: {  	[sflag:s8] =	ssyncset.s32 @!p0 $0xFFFFF086;
	s6 =	sadd.s32 @!p0 s3, s7;
	s7 =	simm.s32 @!p0 $0x108  }
0x21: {  	s3 =	sadd.s32 s3, s9;
	s6 =	sadd.s32 @!p0 $0x88, s6;
	s7 =	simm.s32 @p2 $0x1082  }
0x22: {  	[simem:s7], [sflag:s8] =	dma.local @!p0 [hbm:s6], $0xF7A  }
0x23: {  	s9 =	sor.u32 $0xD0000000, s2;
	s6 =	simm.s32 $0x108;
	_ =	swait.ge @!p0 [sflag:s8], $0x0  }
0x24: {  	s3 =	sadd.s32 $0x88, s3;
	s6 =	simm.s32 @!p1 $0x1082;
	[sflag:s4] =	ssyncset.s32 $0xFFFFF086  }
0x25: {  	[simem:s6], [sflag:s4] =	dma.local [hbm:s3], $0xF7A  }
0x26: {  	[smem:$0x3F9F] =	sst s1;
	(tag) =	ssettag s2;
	_ =	strace s9  }
0x27: {  	s1 =	sld [smem:$0x3FAF]  }
0x28: {  	s2 =	sld [smem:$0x3FB0]  }
0x29: {  	s4 =	sld [smem:$0x3FB2]  }
0x2a: {  	p0 =	seq.s32 s5, $0x0;
	s5 =	sld [smem:$0x3FB3]  }
0x2b: {  	s6 =	sld [smem:$0x3FB4]  }
0x2c: {  	s7 =	sld [smem:$0x3FB5]  }
0x2d: {  	s3 =	simm.s32 $0x108;
	s8 =	sld [smem:$0x3FB6]  }
0x2e: {  	s3 =	simm.s32 @!p0 $0x1082;
	s9 =	sld [smem:$0x3FB7]  }
0x2f: {  	lr =	sadd.s32 s0, s3;
	s0 =	sld [smem:$0x3FAE]  }
0x30: {  	s3 =	sld [smem:$0x3FB1]  }
0x31: {  	[smem:$0x3FBA] =	sst s10  }
0x32: {  	s10 =	sld [smem:$0x3FB8];
	_ =	sdelay $0x3  }
0x33: {  	p0 =	seq.s32 s10, $0x1;
	s10 =	sld [smem:$0x3FBA];
	_ =	sdelay $0x3  }
0x34: {  	[smem:$0x3FBA] =	sst s10  }
0x35: {  	s10 =	sld [smem:$0x3FB9];
	_ =	sdelay $0x3  }
0x36: {  	p1 =	seq.s32 s10, $0x1;
	s10 =	sld [smem:$0x3FBA];
	_ =	sdelay $0x3  }
0x37: {  	[smem:$0x3FBA] =	sst s10  }
0x38: {  	s10 =	sld [smem:$0x3FBB]  }
0x39: {  	_ = 	snop;
	(pc) =	sbr.ind lr, $3  }
0x3a: {  	_ = 	snop  }
0x3b: {  	_ = 	snop  }
0x3c: {  	p2 =	seq.s32 s10, $0x1;
	s10 =	sld [smem:$0x3FBA]  }
0x3d: {  	_ =	shalt  }
0x3e: {  	_ =	shalt  }
0x3f: {  	_ =	shalt  }
0x40: {  	_ =	shalt  }
0x41: {  	_ =	shalt  }
0x42: {  	_ =	shalt  }
0x43: {  	_ =	shalt  }
0x44: {  	_ =	shalt  }
0x45: {  	_ =	shalt  }
0x46: {  	_ =	shalt  }
0x47: {  	_ =	shalt  }
0x48: {  	_ =	shalt  }
0x49: {  	_ =	shalt  }
0x4a: {  	_ =	shalt  }
0x4b: {  	_ =	shalt  }
0x4c: {  	_ =	shalt  }
0x4d: {  	_ =	shalt  }
0x4e: {  	_ =	shalt  }
0x4f: {  	_ =	shalt  }
0x50: {  	_ =	shalt  }
0x51: {  	_ =	shalt  }
0x52: {  	_ =	shalt  }
0x53: {  	_ =	shalt  }
0x54: {  	_ =	shalt  }
0x55: {  	_ =	shalt  }
0x56: {  	_ =	shalt  }
0x57: {  	_ =	shalt  }
0x58: {  	_ =	shalt  }
0x59: {  	_ =	shalt  }
0x5a: {  	_ =	shalt  }
0x5b: {  	_ =	shalt  }
0x5c: {  	_ =	shalt  }
0x5d: {  	_ =	shalt  }
0x5e: {  	_ =	shalt  }
0x5f: {  	_ =	shalt  }
0x60: {  	_ =	shalt  }
0x61: {  	_ =	shalt  }
0x62: {  	_ =	shalt  }
0x63: {  	_ =	shalt  }
0x64: {  	_ =	shalt  }
0x65: {  	_ =	shalt  }
0x66: {  	_ =	shalt  }
0x67: {  	_ =	shalt  }
0x68: {  	_ =	shalt  }
0x69: {  	_ =	shalt  }
0x6a: {  	_ =	shalt  }
0x6b: {  	_ =	shalt  }
0x6c: {  	_ =	shalt  }
0x6d: {  	_ =	shalt  }
0x6e: {  	_ =	shalt  }
0x6f: {  	_ =	shalt  }
0x70: {  	_ =	shalt  }
0x71: {  	_ =	shalt  }
0x72: {  	_ =	shalt  }
0x73: {  	_ =	shalt  }
0x74: {  	_ =	shalt  }
0x75: {  	_ =	shalt  }
0x76: {  	_ =	shalt  }
0x77: {  	_ =	shalt  }
0x78: {  	_ =	shalt  }
0x79: {  	_ =	shalt  }
0x7a: {  	_ =	shalt  }
0x7b: {  	_ =	shalt  }
0x7c: {  	_ =	shalt  }
0x7d: {  	_ =	shalt  }
0x7e: {  	_ =	shalt  }
0x7f: {  	_ =	shalt  }
0x80: {  	_ =	shalt  }
0x81: {  	_ =	shalt  }
0x82: {  	_ =	shalt  }
0x83: {  	_ =	shalt  }
0x84: {  	_ =	shalt  }
0x85: {  	_ =	shalt  }
0x86: {  	_ =	shalt  }
0x87: {  	_ =	shalt  }
.Lfunc_end0:
.L_simem_size_0:
called_computation.1_lowered:
.L_overlay_start_0:
0x88: {  	s2 =	sld [smem:$0x3FD9]  }
0x89: {  	s3 =	sld [smem:$0x3FFE];
	_ =	sdelay $0x1  }
0x8a: {  	s1 =	srdreg.scid  }
0x8b: {  	s0 =	sand.u32 $0x1, s1  }
0x8c: {  	s17 =	sshll.u32 s0, $0xA;
	s2 =	sadd.s32 s3, s2  }
0x8d: {  	s2 =	sadd.s32 s2, s17  }
0x8e: {  	[smem:$0x3FC6] =	sst s2  }
0x8f: {  	_ = 	snop  }
0x90: {  	s2 =	sld [smem:$0x3FD0];
	(tm) =	ssettm $0x1  }
0x91: {  	s18 =	sld [smem:$0x3FFB];
	_ =	sdelay $0x3  }
0x92: {  	_ =	strace s18  }
0x93: {  	s3 =	sld [smem:$0x3FFC];
	_ =	sdelay $0x3  }
0x94: {  	_ =	strace s3  }
0x95: {  	s3 =	sld [smem:$0x3FFD];
	_ =	sdelay $0x3  }
0x96: {  	_ =	strace s3  }
0x97: {  	_ =	strace $0x8FFFFFFF  }
0x98: {  	s19 =	sld [smem:$0x3FDB];
	_ =	sdelay $0x1  }
0x99: {  	s4 =	simm.s32 $_scs_section_size  }
0x9a: {  	s5 =	simm.s32 $_size__tile_overlayer_lowered;
	s6 =	simm.s32 $_tile_overlayer_lowered  }
0x9b: {  	s22 =	simm.s32 $0x1BFF;
	s21 =	sshll.u32 s6, $0x1;
	s3 =	sadd.s32 s4, s19  }
0x9c: {  	s7 =	simm.s32 $0x0;
	s20 =	sshll.u32 s5, $0x1;
	s5 =	sadd.s32 s21, s3  }
0x9d: {  	[timem:s7], [sflag:s22] =	dma.local [hbm:s5], s20  }
0x9e: {  	_ =	swait.ge [sflag:s22], s20  }
0x9f: {  	s4 =	ssub.s32 $0x0, s20;
	[sflag:s22] =	ssyncset.done $0x0  }
0xa0: {  	[sflag:s22] =	ssyncadd.s32 s4;
	_ =	sdelay $0x1  }
0xa1: {  	s23 =	simm.s32 $0x1B8B  }
0xa2: {  	_ =	swait.ge [sflag:s23], $0x1  }
0xa3: {  	[sflag:s23] =	ssyncset.done $0x0  }
0xa4: {  	s25 =	simm.s32 $0x1B8E;
	s24 =	sld [smem:$0x3FFE];
	[sflag:s23] =	ssyncadd.s32 $0xFFFFFFFF  }
0xa5: {  	s26 =	simm.s32 $execute0_lowered;
	[smem:$0x3FD2] =	sst s25  }
0xa6: {  	s5 =	sshll.u32 s26, $0x1;
	_ =	strace $0x80000046;
	[dreg:$0x1] =	wrdreg $0xFFFFFFFF  }
0xa7: {  	s28 =	simm.s32 $_size_execute0_lowered;
	s3 =	sadd.s32 s3, s5;
	[dreg:$0x0] =	wrdreg $0x0  }
0xa8: {  	s5 =	sshll.u32 s28, $0x1;
	[dreg:$0x2] =	wrdreg s3  }
0xa9: {  	[dreg:$0x3] =	wrdreg s5  }
0xaa: {  	[dreg:$0x4] =	wrdreg $0xC0  }
0xab: {  	_ =	task [dreg:s7], $0x5FFFF  }
0xac: {  	[dreg:$0x1] =	wrdreg $0xFFFFFFFF  }
0xad: {  	[dreg:$0x0] =	wrdreg $0x60  }
0xae: {  	[dreg:$0x2] =	wrdreg s2  }
0xaf: {  	[dreg:$0x3] =	wrdreg s24  }
0xb0: {  	[dreg:$0x4] =	wrdreg $0x9  }
0xb1: {  	_ =	task.clear_ibuf [dreg:s7], $0x5FFFF;
	_ =	strace $0x90000046  }
0xb2: {  	s29 =	simm.s32 $0x9;
	_ =	strace $0x80000048  }
0xb3: {  	_ =	swait.ge [sflag:s29], $0x1  }
0xb4: {  	[sflag:s29] =	ssyncadd.s32 $0xFFFFFFFF  }
0xb5: {  	_ =	strace $0x90000048  }
0xb6: {  	_ =	sfence  }
0xb7: {  	s30 =	sld [smem:$0x0];
	_ =	sdelay $0x2  }
0xb8: {  	s31 =	sshll.u32 s1, $0xD;
	s1 =	sshrl.u32 s1, $0x2  }
0xb9: {  	s3 =	sand.u32 $0x4000, s31;
	s1 =	sadd.s32 s1, s30  }
0xba: {  	s0 =	sor.u32 s3, s0;
	s1 =	sshll.u32 s1, $0x11  }
0xbb: {  	s0 =	sor.u32 s1, s0  }
0xbc: {  	s0 =	sadd.s32 $0x8F2B, s0  }
0xbd: {  	[sflag:s0] =	ssyncadd.remote.s32 $0x1  }
0xbe: {  	_ =	sfence.sel $0xFFFF  }
0xbf: {  	[dreg:$0x0] =	wrdreg $0xFFFFFFFF;
	(pc) =	sbr.abs _section_cstart, $3  }
0xc0: {  	[dreg:$0x1] =	wrdreg $0xFFFFFFFF  }
0xc1: {  	_ =	task.clear_ibuf [dreg:s7], $0x2FFFF;
	_ =	strace $0x9FFFFFFF  }
0xc2: {  	(tm) =	ssettm $0x7FFFFFFF  }
0xc3: {  	_ =	shalt  }
tec
execute0_lowered:
.L_overlay_start_1:
0x0: {  	(tag) =	ssettag $0x1  }
0x1: {  	s2 =	rddreg [dreg:$0x0]  }
0x2: {  	s0 =	srdreg.scid;
	s3 =	stileid.u32  }
0x3: {  	s1 =	rddreg [dreg:$0x1];
	s29 =	simm.s32 $0x80;
	s10 =	simm.s32 $0x3  }
0x4: {  	s11 =	simm.s32 $0x6;
	s0 =	sand.u32 $0x1, s0;
	s4 =	sshll.u32 s3, $0x1  }
0x5: {  	s28 =	simm.s32 $0xD;
	s3 =	simm.s32 $0x0;
	s4 =	sor.u32 s0, s4  }
0x6: {  	s5 =	sadd.s32 $0xF43000, s1;
	s6 =	sadd.s32 $0xA00, s1;
	s8 =	smul.u32 $0x6400, s4  }
0x7: {  	[smem:$0x7FF] =	sst s3;
	s0 =	ssub.s32 $0x2, s0;
	s14 =	smul.u32 $0x64000, s4  }
0x8: {  	_ =	strace $0x80000047;
	s13 =	sshrl.u32 s0, $0x1;
	s18 =	smul.u32 $0x320000, s4  }
0x9: {  	s4 =	simm.s32 $0xC;
	s20 =	sadd.s32 $0x1FFFE00, s8;
	[dreg:$0x3] =	wrdreg s8  }
0xa: {  	s0 =	ssub.s32 s0, s13;
	s21 =	sor.u32 $0x80, s8;
	[dreg:$0xa] =	wrdreg s20  }
0xb: {  	s13 =	simm.s32 $0x4;
	s22 =	sadd.s32 $0x1FFFE80, s8;
	[dreg:$0xb] =	wrdreg s21  }
0xc: {  	s7 =	sshrl.u32 s8, $0x3;
	s23 =	sor.u32 $0x100, s8;
	[dreg:$0xc] =	wrdreg s22  }
0xd: {  	s12 =	sadd.s32 s6, s14;
	s24 =	sadd.s32 $0x1FFFF00, s8;
	[dreg:$0xd] =	wrdreg s23  }
0xe: {  	s1 =	sshrl.u32 s18, $0x3;
	s25 =	sor.u32 $0x180, s8;
	[dreg:$0xe] =	wrdreg s24  }
0xf: {  	s26 =	sadd.s32 $0x1FFFF80, s8;
	s0 =	smax.u32 s0, $0x1;
	[dreg:$0xf] =	wrdreg s25  }
0x10: {  	s30 =	sor.u32 $0x200, s8;
	s31 =	sor.u32 $0x280, s8;
	[dreg:$0x10] =	wrdreg s26  }
0x11: {  	s8 =	simm.s32 $0x2;
	s14 =	simm.s32 $0x8;
	[dreg:$0x11] =	wrdreg s0  }
0x12: {  	s18 =	simm.s32 $0xF;
	s7 =	sadd.s32 s2, s7;
	[dreg:$0x12] =	wrdreg s30  }
0x13: {  	s1 =	sadd.s32 s6, s1;
	[dreg:$0x13] =	wrdreg s31;
	s25 =	simm.s32 $0xB  }
0x14: {  	s9 =	sadd.s32 $0x10, s7;
	s15 =	sadd.s32 $0x20, s7;
	[dreg:$0x4] =	wrdreg s7  }
0x15: {  	s16 =	sadd.s32 $0x30, s7;
	s17 =	sadd.s32 $0x40, s7;
	[dreg:$0x5] =	wrdreg s9  }
0x16: {  	s19 =	sadd.s32 $0x50, s7;
	s21 =	sadd.s32 $0x62000, s1;
	[dreg:$0x6] =	wrdreg s15  }
0x17: {  	s22 =	sadd.s32 $0x62800, s1;
	s23 =	sadd.s32 $0x63000, s1;
	[dreg:$0x7] =	wrdreg s16  }
0x18: {  	s24 =	sadd.s32 $0x63800, s1;
	s7 =	simm.s32 $0x5;
	[dreg:$0x8] =	wrdreg s17  }
0x19: {  	s1 =	simm.s32 $0x0;
	[dreg:$0x9] =	wrdreg s19;
	s9 =	simm.s32 $0x7  }
0x1a: {  	s15 =	simm.s32 $0x9;
	s16 =	simm.s32 $0xE;
	s17 =	simm.s32 $0xA  }
.LBB2_1:
0x1b: {  	[dreg:$0x14] =	wrdreg s1  }
0x1c: {  	s0 =	rddreg [dreg:$0x4]  }
0x1d: {  	[tilespmem:s3], [sflag:$0x1] =	stream.linear.gather [hbm4b:s0+s3], $0x80, $0x38;
	[tilespmem:$0x14280] =	vst v63  }
0x1e: {  	s20 =	rddreg [dreg:$0x5]  }
0x1f: {  	[tilespmem:s29], [sflag:$0x2] =	stream.linear.gather [hbm4b:s20+s3], $0x80, $0x38;
	[tilespmem:$0x14280] =	vst v63  }
0x20: {  	s26 =	rddreg [dreg:$0x6];
	s1 =	simm.s32 $0x100  }
0x21: {  	[tilespmem:s1], [sflag:$0x3] =	stream.linear.gather [hbm4b:s26+s3], $0x80, $0x38;
	[tilespmem:$0x14280] =	vst v63  }
0x22: {  	s30 =	rddreg [dreg:$0x7];
	s19 =	simm.s32 $0x180  }
0x23: {  	[tilespmem:s19], [sflag:$0x4] =	stream.linear.gather [hbm4b:s30+s3], $0x80, $0x38;
	[tilespmem:$0x14280] =	vst v63  }
0x24: {  	s31 =	rddreg [dreg:$0x8];
	s20 =	simm.s32 $0x200;
	s26 =	simm.s32 $0x1  }
0x25: {  	[tilespmem:s20], [sflag:$0x5] =	stream.linear.gather [hbm4b:s31+s3], $0x80, $0x38;
	[tilespmem:$0x14280] =	vst v63  }
0x26: {  	_ =	swait.ge [sflag:s26], $0x80  }
0x27: {  	[sflag:s26] =	ssyncset.done $0x0  }
0x28: {  	s30 =	simm.s32 $0x280;
	[sflag:s26] =	ssyncadd.s32 $0xFFFFFF80  }
0x29: {  	[tilespmem:s30], [sflag:$0x6] =	stream.indirect.gather [hbm4b:s5+s29], $0x80, s3, s29, $0xb8;
	[tilespmem:$0x14280] =	vst v63  }
0x2a: {  	_ =	swait.ge [sflag:s8], $0x80  }
0x2b: {  	[sflag:s8] =	ssyncset.done $0x0  }
0x2c: {  	s31 =	simm.s32 $0x4280;
	[sflag:s8] =	ssyncadd.s32 $0xFFFFFF80  }
0x2d: {  	[tilespmem:s31], [sflag:$0x7] =	stream.indirect.gather [hbm4b:s5+s29], $0x80, s29, s29, $0xb8;
	[tilespmem:$0x14280] =	vst v63  }
0x2e: {  	_ =	swait.ge [sflag:s10], $0x80  }
0x2f: {  	[sflag:s10] =	ssyncset.done $0x0  }
0x30: {  	s26 =	simm.s32 $0x8280;
	[sflag:s10] =	ssyncadd.s32 $0xFFFFFF80  }
0x31: {  	[tilespmem:s26], [sflag:$0x8] =	stream.indirect.gather [hbm4b:s5+s29], $0x80, s1, s29, $0xb8;
	[tilespmem:$0x14280] =	vst v63  }
0x32: {  	_ =	swait.ge [sflag:s13], $0x80  }
0x33: {  	[sflag:s13] =	ssyncset.done $0x0  }
0x34: {  	s30 =	simm.s32 $0xC280;
	[sflag:s13] =	ssyncadd.s32 $0xFFFFFF80  }
0x35: {  	[tilespmem:s30], [sflag:$0x9] =	stream.indirect.gather [hbm4b:s5+s29], $0x80, s19, s29, $0xb8;
	[tilespmem:$0x14280] =	vst v63  }
0x36: {  	_ =	swait.ge [sflag:s7], $0x80  }
0x37: {  	[sflag:s7] =	ssyncset.done $0x0  }
0x38: {  	s31 =	simm.s32 $0x10280;
	[sflag:s7] =	ssyncadd.s32 $0xFFFFFF80  }
0x39: {  	[tilespmem:s31], [sflag:$0xA] =	stream.indirect.gather [hbm4b:s5+s29], $0x80, s20, s29, $0xb8;
	[tilespmem:$0x14280] =	vst v63  }
0x3a: {  	_ =	swait.ge [sflag:s11], $0x4000  }
0x3b: {  	s26 =	sadd.s32 $0x0, s12;
	s1 =	simm.s32 $0x280;
	[sflag:s11] =	ssyncset.done $0x0  }
0x3c: {  	s19 =	simm.s32 $0x10;
	s20 =	simm.s32 $0x300;
	[sflag:s11] =	ssyncadd.s32 $0xFFFFC000  }
.LBB2_2:
0x3d: {  	[hbm4b:s26+s3] =	stream.linear.scatter [tilespmem:s1], [sflag:$0xB], $0x40, $0x38;
	[tilespmem:$0x14280] =	vst v63  }
0x3e: {  	s0 =	smov.u32 s19;
	s1 =	smov.u32 s20;
	p0 =	sne.s32 s19, $0x7F0  }
.Ltmp0:
0x3f: {  	s19 =	sadd.s32 $0x10, s19;
	(pc) =	sbr.rel @p0 .LBB2_2-.Ltmp0, $2  }
0x40: {  	_ =	sdelay $0x2  }
0x41: {  	s20 =	sadd.s32 $0x80, s20;
	s26 =	sadd.s32 s0, s12  }
0x42: {  	[hbm4b:s26+s3] =	stream.linear.scatter [tilespmem:s1], [sflag:$0xB], $0x40, $0x38;
	[tilespmem:$0x14280] =	vst v63  }
0x43: {  	s0 =	rddreg [dreg:$0x9];
	s19 =	simm.s32 $0x1  }
0x44: {  	[tilespmem:s3], [sflag:$0x1] =	stream.linear.gather [hbm4b:s0+s3], $0x80, $0x38;
	[tilespmem:$0x14280] =	vst v63  }
.LBB2_4:
0x45: {  	_ =	swait.ge [sflag:s25], $0x2000  }
0x46: {  	[sflag:s25] =	ssyncset.done $0x0  }
0x47: {  	s0 =	simm.s32 $0x1;
	[sflag:s25] =	ssyncadd.s32 $0xFFFFE000  }
0x48: {  	_ =	swait.ge [sflag:s0], $0x80  }
0x49: {  	s26 =	simm.s32 $0x0;
	[sflag:s0] =	ssyncset.done $0x0  }
0x4a: {  	s20 =	smul.u32 $0x280, s19;
	s1 =	simm.s32 $0x280;
	[sflag:s0] =	ssyncadd.s32 $0xFFFFFF80  }
0x4b: {  	[tilespmem:s1], [sflag:$0x6] =	stream.indirect.gather [hbm4b:s5+s29], $0x80, s26, s29, $0xb8;
	[tilespmem:$0x14280] =	vst v63  }
0x4c: {  	s26 =	rddreg [dreg:$0xa]  }
0x4d: {  	s0 =	sadd.s32 s20, s26  }
0x4e: {  	s0 =	sshll.u32 s0, $0x4  }
0x4f: {  	s30 =	simm.s32 $0x4280;
	_ =	swait.ge [sflag:s9], $0x4000;
	s0 =	sand.u32 $0x1FFFF800, s0  }
0x50: {  	s31 =	simm.s32 $0x10;
	[sflag:s9] =	ssyncset.done $0x0;
	s26 =	sadd.s32 s6, s0  }
0x51: {  	s1 =	simm.s32 $0x4300;
	[sflag:s9] =	ssyncadd.s32 $0xFFFFC000;
	s0 =	sadd.s32 $0x0, s26  }
.LBB2_5:
0x52: {  	[hbm4b:s0+s3] =	stream.linear.scatter [tilespmem:s30], [sflag:$0xC], $0x40, $0x38;
	[tilespmem:$0x14280] =	vst v63  }
0x53: {  	s0 =	smov.u32 s31;
	s30 =	smov.u32 s1;
	p0 =	sne.s32 s31, $0x7F0  }
.Ltmp1:
0x54: {  	s31 =	sadd.s32 $0x10, s31;
	(pc) =	sbr.rel @p0 .LBB2_5-.Ltmp1, $2  }
0x55: {  	_ =	sdelay $0x2  }
0x56: {  	s1 =	sadd.s32 $0x80, s1;
	s0 =	sadd.s32 s0, s26  }
0x57: {  	[hbm4b:s0+s3] =	stream.linear.scatter [tilespmem:s30], [sflag:$0xC], $0x40, $0x38;
	[tilespmem:$0x14280] =	vst v63  }
0x58: {  	s26 =	rddreg [dreg:$0xb]  }
0x59: {  	s0 =	sadd.s32 s20, s26  }
0x5a: {  	s0 =	sshrl.u32 s0, $0x3  }
0x5b: {  	s1 =	simm.s32 $0x0;
	s0 =	sadd.s32 s2, s0  }
0x5c: {  	[tilespmem:s29], [sflag:$0x2] =	stream.linear.gather [hbm4b:s0+s1], $0x80, $0x38;
	[tilespmem:$0x14280] =	vst v63  }
0x5d: {  	_ =	swait.ge [sflag:s4], $0x2000  }
0x5e: {  	[sflag:s4] =	ssyncset.done $0x0  }
0x5f: {  	[sflag:s4] =	ssyncadd.s32 $0xFFFFE000  }
0x60: {  	_ =	swait.ge [sflag:s8], $0x80  }
0x61: {  	[sflag:s8] =	ssyncset.done $0x0;
	s26 =	rddreg [dreg:$0xc]  }
0x62: {  	s1 =	simm.s32 $0x4280;
	[sflag:s8] =	ssyncadd.s32 $0xFFFFFF80;
	s0 =	sadd.s32 s20, s26  }
0x63: {  	[tilespmem:s1], [sflag:$0x7] =	stream.indirect.gather [hbm4b:s5+s29], $0x80, s29, s29, $0xb8;
	[tilespmem:$0x14280] =	vst v63  }
0x64: {  	s0 =	sshll.u32 s0, $0x4  }
0x65: {  	s30 =	simm.s32 $0x8280;
	_ =	swait.ge [sflag:s14], $0x4000;
	s0 =	sand.u32 $0x1FFFF800, s0  }
0x66: {  	s31 =	simm.s32 $0x10;
	[sflag:s14] =	ssyncset.done $0x0;
	s26 =	sadd.s32 s6, s0  }
0x67: {  	s1 =	simm.s32 $0x8300;
	[sflag:s14] =	ssyncadd.s32 $0xFFFFC000;
	s0 =	sadd.s32 $0x0, s26  }
.LBB2_7:
0x68: {  	[hbm4b:s0+s3] =	stream.linear.scatter [tilespmem:s30], [sflag:$0xD], $0x40, $0x38;
	[tilespmem:$0x14280] =	vst v63  }
0x69: {  	s0 =	smov.u32 s31;
	s30 =	smov.u32 s1;
	p0 =	sne.s32 s31, $0x7F0  }
.Ltmp2:
0x6a: {  	s31 =	sadd.s32 $0x10, s31;
	(pc) =	sbr.rel @p0 .LBB2_7-.Ltmp2, $2  }
0x6b: {  	_ =	sdelay $0x2  }
0x6c: {  	s1 =	sadd.s32 $0x80, s1;
	s0 =	sadd.s32 s0, s26  }
0x6d: {  	[hbm4b:s0+s3] =	stream.linear.scatter [tilespmem:s30], [sflag:$0xD], $0x40, $0x38;
	[tilespmem:$0x14280] =	vst v63  }
0x6e: {  	s26 =	rddreg [dreg:$0xd]  }
0x6f: {  	s0 =	sadd.s32 s20, s26  }
0x70: {  	s0 =	sshrl.u32 s0, $0x3  }
0x71: {  	s1 =	simm.s32 $0x0;
	s26 =	simm.s32 $0x100;
	s0 =	sadd.s32 s2, s0  }
0x72: {  	[tilespmem:s26], [sflag:$0x3] =	stream.linear.gather [hbm4b:s0+s1], $0x80, $0x38;
	[tilespmem:$0x14280] =	vst v63  }
0x73: {  	_ =	swait.ge [sflag:s28], $0x2000  }
0x74: {  	[sflag:s28] =	ssyncset.done $0x0  }
0x75: {  	[sflag:s28] =	ssyncadd.s32 $0xFFFFE000  }
0x76: {  	_ =	swait.ge [sflag:s10], $0x80  }
0x77: {  	[sflag:s10] =	ssyncset.done $0x0  }
0x78: {  	s1 =	simm.s32 $0x8280;
	[sflag:s10] =	ssyncadd.s32 $0xFFFFFF80  }
0x79: {  	[tilespmem:s1], [sflag:$0x8] =	stream.indirect.gather [hbm4b:s5+s29], $0x80, s26, s29, $0xb8;
	[tilespmem:$0x14280] =	vst v63  }
0x7a: {  	s26 =	rddreg [dreg:$0xe]  }
0x7b: {  	s0 =	sadd.s32 s20, s26  }
0x7c: {  	s0 =	sshll.u32 s0, $0x4  }
0x7d: {  	s30 =	simm.s32 $0xC280;
	_ =	swait.ge [sflag:s15], $0x4000;
	s0 =	sand.u32 $0x1FFFF800, s0  }
0x7e: {  	s31 =	simm.s32 $0x10;
	[sflag:s15] =	ssyncset.done $0x0;
	s26 =	sadd.s32 s6, s0  }
0x7f: {  	s1 =	simm.s32 $0xC300;
	[sflag:s15] =	ssyncadd.s32 $0xFFFFC000;
	s0 =	sadd.s32 $0x0, s26  }
.LBB2_9:
0x80: {  	[hbm4b:s0+s3] =	stream.linear.scatter [tilespmem:s30], [sflag:$0xE], $0x40, $0x38;
	[tilespmem:$0x14280] =	vst v63  }
0x81: {  	s0 =	smov.u32 s31;
	s30 =	smov.u32 s1;
	p0 =	sne.s32 s31, $0x7F0  }
.Ltmp3:
0x82: {  	s31 =	sadd.s32 $0x10, s31;
	(pc) =	sbr.rel @p0 .LBB2_9-.Ltmp3, $2  }
0x83: {  	_ =	sdelay $0x2  }
0x84: {  	s1 =	sadd.s32 $0x80, s1;
	s0 =	sadd.s32 s0, s26  }
0x85: {  	[hbm4b:s0+s3] =	stream.linear.scatter [tilespmem:s30], [sflag:$0xE], $0x40, $0x38;
	[tilespmem:$0x14280] =	vst v63  }
0x86: {  	s26 =	rddreg [dreg:$0xf]  }
0x87: {  	s0 =	sadd.s32 s20, s26  }
0x88: {  	s0 =	sshrl.u32 s0, $0x3  }
0x89: {  	s1 =	simm.s32 $0x0;
	s26 =	simm.s32 $0x180;
	s0 =	sadd.s32 s2, s0  }
0x8a: {  	[tilespmem:s26], [sflag:$0x4] =	stream.linear.gather [hbm4b:s0+s1], $0x80, $0x38;
	[tilespmem:$0x14280] =	vst v63  }
0x8b: {  	_ =	swait.ge [sflag:s16], $0x2000  }
0x8c: {  	[sflag:s16] =	ssyncset.done $0x0  }
0x8d: {  	[sflag:s16] =	ssyncadd.s32 $0xFFFFE000  }
0x8e: {  	_ =	swait.ge [sflag:s13], $0x80  }
0x8f: {  	[sflag:s13] =	ssyncset.done $0x0  }
0x90: {  	s1 =	simm.s32 $0xC280;
	[sflag:s13] =	ssyncadd.s32 $0xFFFFFF80  }
0x91: {  	[tilespmem:s1], [sflag:$0x9] =	stream.indirect.gather [hbm4b:s5+s29], $0x80, s26, s29, $0xb8;
	[tilespmem:$0x14280] =	vst v63  }
0x92: {  	s26 =	rddreg [dreg:$0x10]  }
0x93: {  	s0 =	sadd.s32 s20, s26  }
0x94: {  	s0 =	sshll.u32 s0, $0x4  }
0x95: {  	s30 =	simm.s32 $0x10280;
	_ =	swait.ge [sflag:s17], $0x4000;
	s0 =	sand.u32 $0x1FFFF800, s0  }
0x96: {  	s31 =	simm.s32 $0x10;
	[sflag:s17] =	ssyncset.done $0x0;
	s26 =	sadd.s32 s6, s0  }
0x97: {  	s1 =	simm.s32 $0x10300;
	[sflag:s17] =	ssyncadd.s32 $0xFFFFC000;
	s0 =	sadd.s32 $0x0, s26  }
.LBB2_11:
0x98: {  	[hbm4b:s0+s3] =	stream.linear.scatter [tilespmem:s30], [sflag:$0xF], $0x40, $0x38;
	[tilespmem:$0x14280] =	vst v63  }
0x99: {  	s0 =	smov.u32 s31;
	s30 =	smov.u32 s1;
	p0 =	sne.s32 s31, $0x7F0  }
.Ltmp4:
0x9a: {  	s31 =	sadd.s32 $0x10, s31;
	(pc) =	sbr.rel @p0 .LBB2_11-.Ltmp4, $2  }
0x9b: {  	_ =	sdelay $0x2  }
0x9c: {  	s1 =	sadd.s32 $0x80, s1;
	s0 =	sadd.s32 s0, s26  }
0x9d: {  	[hbm4b:s0+s3] =	stream.linear.scatter [tilespmem:s30], [sflag:$0xF], $0x40, $0x38;
	[tilespmem:$0x14280] =	vst v63  }
0x9e: {  	s26 =	rddreg [dreg:$0x12]  }
0x9f: {  	s0 =	sadd.s32 s20, s26  }
0xa0: {  	s0 =	sshrl.u32 s0, $0x3  }
0xa1: {  	s1 =	simm.s32 $0x0;
	s26 =	simm.s32 $0x200;
	s0 =	sadd.s32 s2, s0  }
0xa2: {  	[tilespmem:s26], [sflag:$0x5] =	stream.linear.gather [hbm4b:s0+s1], $0x80, $0x38;
	[tilespmem:$0x14280] =	vst v63  }
0xa3: {  	_ =	swait.ge [sflag:s18], $0x2000  }
0xa4: {  	[sflag:s18] =	ssyncset.done $0x0  }
0xa5: {  	[sflag:s18] =	ssyncadd.s32 $0xFFFFE000  }
0xa6: {  	_ =	swait.ge [sflag:s7], $0x80  }
0xa7: {  	[sflag:s7] =	ssyncset.done $0x0  }
0xa8: {  	s1 =	simm.s32 $0x10280;
	[sflag:s7] =	ssyncadd.s32 $0xFFFFFF80  }
0xa9: {  	[tilespmem:s1], [sflag:$0xA] =	stream.indirect.gather [hbm4b:s5+s29], $0x80, s26, s29, $0xb8;
	[tilespmem:$0x14280] =	vst v63  }
0xaa: {  	s26 =	rddreg [dreg:$0x3]  }
0xab: {  	s0 =	sadd.s32 s26, s20  }
0xac: {  	s0 =	sshll.u32 s0, $0x4  }
0xad: {  	s30 =	simm.s32 $0x280;
	_ =	swait.ge [sflag:s11], $0x4000;
	s0 =	sand.u32 $0x1FFFF800, s0  }
0xae: {  	s31 =	simm.s32 $0x10;
	[sflag:s11] =	ssyncset.done $0x0;
	s26 =	sadd.s32 s6, s0  }
0xaf: {  	s1 =	simm.s32 $0x300;
	[sflag:s11] =	ssyncadd.s32 $0xFFFFC000;
	s0 =	sadd.s32 $0x0, s26  }
.LBB2_13:
0xb0: {  	[hbm4b:s0+s3] =	stream.linear.scatter [tilespmem:s30], [sflag:$0xB], $0x40, $0x38;
	[tilespmem:$0x14280] =	vst v63  }
0xb1: {  	s0 =	smov.u32 s31;
	s30 =	smov.u32 s1;
	p0 =	sne.s32 s31, $0x7F0  }
.Ltmp5:
0xb2: {  	s31 =	sadd.s32 $0x10, s31;
	(pc) =	sbr.rel @p0 .LBB2_13-.Ltmp5, $2  }
0xb3: {  	_ =	sdelay $0x2  }
0xb4: {  	s1 =	sadd.s32 $0x80, s1;
	s0 =	sadd.s32 s0, s26  }
0xb5: {  	p0 =	seq.s32 s19, $0x27  }
.Ltmp6:
0xb6: {  	_ = 	snop;
	(pc) =	sbr.rel @p0 .LBB2_16-.Ltmp6, $2  }
0xb7: {  	_ =	sdelay $0x2  }
0xb8: {  	[hbm4b:s0+s3] =	stream.linear.scatter [tilespmem:s30], [sflag:$0xB], $0x40, $0x38;
	[tilespmem:$0x14280] =	vst v63  }
.Ltmp7:
0xb9: {  	s0 =	rddreg [dreg:$0x13];
	(pc) =	sbr.rel .LBB2_4-.Ltmp7, $4  }
0xba: {  	s0 =	sadd.s32 s20, s0  }
0xbb: {  	s0 =	sshrl.u32 s0, $0x3  }
0xbc: {  	s19 =	sadd.s32 $0x1, s19;
	s0 =	sadd.s32 s2, s0  }
0xbd: {  	[tilespmem:s3], [sflag:$0x1] =	stream.linear.gather [hbm4b:s0+s3], $0x80, $0x38;
	[tilespmem:$0x14280] =	vst v63  }
.LBB2_16:
0xbe: {  	_ =	swait.ge [sflag:s9], $0x4000  }
0xbf: {  	s19 =	simm.s32 $0x4280;
	s20 =	simm.s32 $0x10;
	[sflag:s9] =	ssyncset.done $0x0  }
0xc0: {  	s0 =	sadd.s32 $0x0, s21;
	s1 =	simm.s32 $0x4300;
	[sflag:s9] =	ssyncadd.s32 $0xFFFFC000  }
.LBB2_17:
0xc1: {  	[hbm4b:s0+s3] =	stream.linear.scatter [tilespmem:s19], [sflag:$0xC], $0x40, $0x38;
	[tilespmem:$0x14280] =	vst v63  }
0xc2: {  	s0 =	smov.u32 s20;
	s19 =	smov.u32 s1;
	p0 =	sne.s32 s20, $0x7F0  }
.Ltmp8:
0xc3: {  	s20 =	sadd.s32 $0x10, s20;
	(pc) =	sbr.rel @p0 .LBB2_17-.Ltmp8, $2  }
0xc4: {  	_ =	sdelay $0x2  }
0xc5: {  	s1 =	sadd.s32 $0x80, s1;
	s0 =	sadd.s32 s0, s21  }
0xc6: {  	[hbm4b:s0+s3] =	stream.linear.scatter [tilespmem:s19], [sflag:$0xC], $0x40, $0x38;
	[tilespmem:$0x14280] =	vst v63  }
0xc7: {  	_ =	swait.ge [sflag:s14], $0x4000  }
0xc8: {  	s19 =	simm.s32 $0x8280;
	s20 =	simm.s32 $0x10;
	[sflag:s14] =	ssyncset.done $0x0  }
0xc9: {  	s0 =	sadd.s32 $0x0, s22;
	s1 =	simm.s32 $0x8300;
	[sflag:s14] =	ssyncadd.s32 $0xFFFFC000  }
.LBB2_19:
0xca: {  	[hbm4b:s0+s3] =	stream.linear.scatter [tilespmem:s19], [sflag:$0xD], $0x40, $0x38;
	[tilespmem:$0x14280] =	vst v63  }
0xcb: {  	s0 =	smov.u32 s20;
	s19 =	smov.u32 s1;
	p0 =	sne.s32 s20, $0x7F0  }
.Ltmp9:
0xcc: {  	s20 =	sadd.s32 $0x10, s20;
	(pc) =	sbr.rel @p0 .LBB2_19-.Ltmp9, $2  }
0xcd: {  	_ =	sdelay $0x2  }
0xce: {  	s1 =	sadd.s32 $0x80, s1;
	s0 =	sadd.s32 s0, s22  }
0xcf: {  	[hbm4b:s0+s3] =	stream.linear.scatter [tilespmem:s19], [sflag:$0xD], $0x40, $0x38;
	[tilespmem:$0x14280] =	vst v63  }
0xd0: {  	_ =	swait.ge [sflag:s15], $0x4000  }
0xd1: {  	s19 =	simm.s32 $0xC280;
	s20 =	simm.s32 $0x10;
	[sflag:s15] =	ssyncset.done $0x0  }
0xd2: {  	s0 =	sadd.s32 $0x0, s23;
	s1 =	simm.s32 $0xC300;
	[sflag:s15] =	ssyncadd.s32 $0xFFFFC000  }
.LBB2_21:
0xd3: {  	[hbm4b:s0+s3] =	stream.linear.scatter [tilespmem:s19], [sflag:$0xE], $0x40, $0x38;
	[tilespmem:$0x14280] =	vst v63  }
0xd4: {  	s0 =	smov.u32 s20;
	s19 =	smov.u32 s1;
	p0 =	sne.s32 s20, $0x7F0  }
.Ltmp10:
0xd5: {  	s20 =	sadd.s32 $0x10, s20;
	(pc) =	sbr.rel @p0 .LBB2_21-.Ltmp10, $2  }
0xd6: {  	_ =	sdelay $0x2  }
0xd7: {  	s1 =	sadd.s32 $0x80, s1;
	s0 =	sadd.s32 s0, s23  }
0xd8: {  	[hbm4b:s0+s3] =	stream.linear.scatter [tilespmem:s19], [sflag:$0xE], $0x40, $0x38;
	[tilespmem:$0x14280] =	vst v63  }
0xd9: {  	_ =	swait.ge [sflag:s17], $0x4000  }
0xda: {  	s19 =	simm.s32 $0x10280;
	s20 =	simm.s32 $0x10;
	[sflag:s17] =	ssyncset.done $0x0  }
0xdb: {  	s0 =	sadd.s32 $0x0, s24;
	s1 =	simm.s32 $0x10300;
	[sflag:s17] =	ssyncadd.s32 $0xFFFFC000  }
.LBB2_23:
0xdc: {  	[hbm4b:s0+s3] =	stream.linear.scatter [tilespmem:s19], [sflag:$0xF], $0x40, $0x38;
	[tilespmem:$0x14280] =	vst v63  }
0xdd: {  	s0 =	smov.u32 s20;
	s19 =	smov.u32 s1;
	p0 =	sne.s32 s20, $0x7F0  }
.Ltmp11:
0xde: {  	s20 =	sadd.s32 $0x10, s20;
	(pc) =	sbr.rel @p0 .LBB2_23-.Ltmp11, $2  }
0xdf: {  	_ =	sdelay $0x2  }
0xe0: {  	s1 =	sadd.s32 $0x80, s1;
	s0 =	sadd.s32 s0, s24  }
0xe1: {  	[hbm4b:s0+s3] =	stream.linear.scatter [tilespmem:s19], [sflag:$0xF], $0x40, $0x38;
	[tilespmem:$0x14280] =	vst v63  }
0xe2: {  	_ =	swait.ge [sflag:s25], $0x2000  }
0xe3: {  	[sflag:s25] =	ssyncset.done $0x0  }
0xe4: {  	[sflag:s25] =	ssyncadd.s32 $0xFFFFE000  }
0xe5: {  	_ =	swait.ge [sflag:s4], $0x2000  }
0xe6: {  	[sflag:s4] =	ssyncset.done $0x0  }
0xe7: {  	[sflag:s4] =	ssyncadd.s32 $0xFFFFE000  }
0xe8: {  	_ =	swait.ge [sflag:s28], $0x2000  }
0xe9: {  	[sflag:s28] =	ssyncset.done $0x0  }
0xea: {  	[sflag:s28] =	ssyncadd.s32 $0xFFFFE000  }
0xeb: {  	_ =	swait.ge [sflag:s16], $0x2000  }
0xec: {  	[sflag:s16] =	ssyncset.done $0x0  }
0xed: {  	[sflag:s16] =	ssyncadd.s32 $0xFFFFE000  }
0xee: {  	_ =	swait.ge [sflag:s18], $0x2000  }
0xef: {  	s1 =	rddreg [dreg:$0x14]  }
0xf0: {  	s31 =	rddreg [dreg:$0x11];
	s1 =	sadd.s32 $0x1, s1  }
0xf1: {  	p0 =	sne.s32 s1, s31  }
.Ltmp12:
0xf2: {  	_ = 	snop;
	(pc) =	sbr.rel @p0 .LBB2_1-.Ltmp12, $3  }
0xf3: {  	_ =	sdelay $0x1  }
0xf4: {  	[sflag:s18] =	ssyncset.done $0x0  }
0xf5: {  	[sflag:s18] =	ssyncadd.s32 $0xFFFFE000  }
0xf6: {  	_ =	sfence.sel $0x180000  }
0xf7: {  	[bflag:$0x0] =	sbarrier.arrive $0xFFFF  }
0xf8: {  	_ =	strace $0x90000047  }
0xf9: {  	s0 =	stileid.u32;
	[bflag:$0x2] =	sbarrier.arrive $0xFFFF  }
0xfa: {  	p0 =	sne.s32 s0, $0x0;
	s0 =	rddreg [dreg:$0x2]  }
0xfb: {  	s0 =	sadd.s32 @!p0 $0x100000, s0  }
0xfc: {  	[sflag:s0] =	ssyncadd.tile.s32 @!p0 $0x1;
	_ =	shalt  }
.Lfunc_end2:
_tile_overlayer_lowered:
.L_overlay_start_2:
0xfd: {  	(tag) =	ssettag $0x2  }
0xfe: {  	s0 =	rddreg [dreg:$0x0];
	s2 =	stileid.u32  }
0xff: {  	s1 =	rddreg [dreg:$0x1];
	p0 =	sne.s32 s2, $0x0  }
0x100: {  	s3 =	rddreg [dreg:$0x2];
	[bflag:$0x3] =	sbarrier.arrive $0xFFFF;
	s2 =	simm.s32 @!p0 $0x1C10  }
0x101: {  	[timem:s3], [sflag:s2] =	dma.local @!p0 [hbm:s0], s1  }
0x102: {  	s0 =	simm.s32 @!p0 $0x10  }
0x103: {  	_ =	swait.ge @!p0 [sflag:s0], s1  }
0x104: {  	s1 =	ssub.s32 @!p0 $0x0, s1;
	[sflag:s0] =	ssyncset.done @!p0 $0x0  }
0x105: {  	[sflag:s0] =	ssyncadd.s32 @!p0 s1  }
0x106: {  	[bflag:$0x3] =	sbarrier.arrive $0xFFFF  }
0x107: {  	_ =	shalt  }

// kernel: sparse-core-data-format-call.cloned.1.call-start
scs
called_computation_lowered:
.L_overlay_start_0:
0x0: {  	s2 =	sld [smem:$0x3FD9]  }
0x1: {  	s3 =	sld [smem:$0x3FFE];
	_ =	sdelay $0x1  }
0x2: {  	s1 =	srdreg.scid  }
0x3: {  	s0 =	sand.u32 $0x1, s1  }
0x4: {  	s18 =	sshll.u32 s0, $0xA;
	s2 =	sadd.s32 s3, s2  }
0x5: {  	s2 =	sadd.s32 s2, s18  }
0x6: {  	[smem:$0x3FC6] =	sst s2  }
0x7: {  	_ = 	snop  }
0x8: {  	s2 =	sld [smem:$0x3FD0];
	(tm) =	ssettm $0x1  }
0x9: {  	s19 =	sld [smem:$0x3FFB];
	_ =	sdelay $0x3  }
0xa: {  	_ =	strace s19  }
0xb: {  	s3 =	sld [smem:$0x3FFC];
	_ =	sdelay $0x3  }
0xc: {  	_ =	strace s3  }
0xd: {  	s3 =	sld [smem:$0x3FFD];
	_ =	sdelay $0x3  }
0xe: {  	_ =	strace s3  }
0xf: {  	_ =	strace $0x8FFFFFFF  }
0x10: {  	s20 =	sld [smem:$0x3FDB];
	_ =	sdelay $0x1  }
0x11: {  	s4 =	simm.s32 $_scs_section_size  }
0x12: {  	s5 =	simm.s32 $_size__tile_overlayer_lowered;
	s6 =	simm.s32 $_tile_overlayer_lowered  }
0x13: {  	s23 =	simm.s32 $0x1BFF;
	s22 =	sshll.u32 s6, $0x1;
	s3 =	sadd.s32 s4, s20  }
0x14: {  	s7 =	simm.s32 $0x0;
	s21 =	sshll.u32 s5, $0x1;
	s5 =	sadd.s32 s22, s3  }
0x15: {  	[timem:s7], [sflag:s23] =	dma.local [hbm:s5], s21  }
0x16: {  	_ =	swait.ge [sflag:s23], s21  }
0x17: {  	s4 =	ssub.s32 $0x0, s21;
	[sflag:s23] =	ssyncset.done $0x0  }
0x18: {  	[sflag:s23] =	ssyncadd.s32 s4;
	_ =	sdelay $0x1  }
0x19: {  	s24 =	simm.s32 $0x1B8B  }
0x1a: {  	_ =	swait.ge [sflag:s24], $0x1  }
0x1b: {  	[sflag:s24] =	ssyncset.done $0x0  }
0x1c: {  	s26 =	simm.s32 $0x1B8E;
	s25 =	sld [smem:$0x3FFE];
	[sflag:s24] =	ssyncadd.s32 $0xFFFFFFFF  }
0x1d: {  	s27 =	simm.s32 $execute0_lowered;
	[smem:$0x3FD2] =	sst s26  }
0x1e: {  	s5 =	sshll.u32 s27, $0x1;
	_ =	strace $0x80000049;
	[dreg:$0x1] =	wrdreg $0xFFFFFFFF  }
0x1f: {  	s28 =	simm.s32 $_size_execute0_lowered;
	s3 =	sadd.s32 s3, s5;
	[dreg:$0x0] =	wrdreg $0x0  }
0x20: {  	s5 =	sshll.u32 s28, $0x1;
	[dreg:$0x2] =	wrdreg s3  }
0x21: {  	[dreg:$0x3] =	wrdreg s5  }
0x22: {  	[dreg:$0x4] =	wrdreg $0xC0  }
0x23: {  	_ =	task [dreg:s7], $0x5FFFF  }
0x24: {  	[dreg:$0x1] =	wrdreg $0xFFFFFFFF  }
0x25: {  	[dreg:$0x0] =	wrdreg $0x60  }
0x26: {  	[dreg:$0x2] =	wrdreg s25  }
0x27: {  	[dreg:$0x3] =	wrdreg s2  }
0x28: {  	[dreg:$0x4] =	wrdreg $0x9  }
0x29: {  	_ =	task.clear_ibuf [dreg:s7], $0x5FFFF;
	_ =	strace $0x90000049  }
0x2a: {  	s29 =	simm.s32 $0x9;
	_ =	strace $0x8000004B  }
0x2b: {  	_ =	swait.ge [sflag:s29], $0x1  }
0x2c: {  	[sflag:s29] =	ssyncadd.s32 $0xFFFFFFFF  }
0x2d: {  	_ =	strace $0x9000004B  }
0x2e: {  	_ =	sfence  }
0x2f: {  	s30 =	sld [smem:$0x0];
	_ =	sdelay $0x2  }
0x30: {  	s31 =	sshll.u32 s1, $0xD;
	s1 =	sshrl.u32 s1, $0x2  }
0x31: {  	s3 =	sand.u32 $0x4000, s31;
	s1 =	sadd.s32 s1, s30  }
0x32: {  	s0 =	sor.u32 s3, s0;
	s1 =	sshll.u32 s1, $0x11  }
0x33: {  	s0 =	sor.u32 s1, s0  }
0x34: {  	s0 =	sadd.s32 $0x8F2B, s0  }
0x35: {  	[sflag:s0] =	ssyncadd.remote.s32 $0x1  }
0x36: {  	_ =	sfence.sel $0xFFFF  }
0x37: {  	[dreg:$0x0] =	wrdreg $0xFFFFFFFF;
	(pc) =	sbr.abs _section_cstart, $3  }
0x38: {  	[dreg:$0x1] =	wrdreg $0xFFFFFFFF  }
0x39: {  	_ =	task.clear_ibuf [dreg:s7], $0x2FFFF;
	_ =	strace $0x9FFFFFFF  }
0x3a: {  	(tm) =	ssettm $0x7FFFFFFF  }
0x3b: {  	_ =	shalt  }
tec
execute0_lowered:
.L_overlay_start_1:
0x0: {  	(tag) =	ssettag $0x1  }
0x1: {  	s0 =	srdreg.scid  }
0x2: {  	s1 =	sshll.u32 s0, $0x4  }
0x3: {  	s0 =	stileid.u32;
	s1 =	sand.u32 $0x10, s1  }
0x4: {  	s1 =	sor.u32 s0, s1  }
0x5: {  	s6 =	rddreg [dreg:$0x0];
	s4 =	simm.s32 $0x1;
	s2 =	sshll.u32 s1, $0x7  }
0x6: {  	s7 =	simm.s32 $0x2;
	s12 =	simm.s32 $0x0;
	s1 =	ssub.s32 $0x1000, s2  }
0x7: {  	s8 =	simm.s32 $0x8000;
	s13 =	simm.s32 $0x0;
	s3 =	sand.u32 $0xF80, s1  }
0x8: {  	s9 =	simm.s32 $0x0;
	s5 =	sshrl.u32 s1, $0xC;
	p0 =	sne.s32 s3, $0x0  }
.Ltmp0:
0x9: {  	s1 =	rddreg [dreg:$0x2];
	s4 =	simm.s32 @!p0 $0x0;
	(pc) =	sbr.rel .LBB1_1-.Ltmp0, $4  }
0xa: {  	s11 =	simm.s32 $0x0;
	s3 =	rddreg [dreg:$0x1];
	s5 =	sadd.s32 s4, s5  }
0xb: {  	_ =	strace $0x8000004A;
	s4 =	simm.s32 $0x1;
	s5 =	smul.u32 $0xC8, s5  }
0xc: {  	s6 =	sadd.s32 $0xA00, s6;
	s10 =	smov.u32 s2;
	[sflag:s4] =	ssyncpa.u1 $0x0  }
0xd: {  	p0 =	por $0x0, $0x0;
	[sflag:s7] =	ssyncpa.u1 $0x0;
	s7 =	sor.u32 $0x1, s5  }
.LBB1_4:
0xe: {  	s16 =	sshll.u32 s13, $0x3;
	s17 =	sand.u32 $0x78, s13  }
0xf: {  	s30 =	sand.u32 $0x7E00, s13;
	s12 =	sshll.u32 s12, $0xF;
	s16 =	sand.u32 $0xC00, s16  }
0x10: {  	[tilespmem:s15+$0x810 ss:$0x81] =	vst.msk $0xffff, v2;
	s31 =	sand.u32 $0x7, s13;
	s16 =	sor.u32 s17, s16;
	s17 =	sadd.s32 s3, s30  }
0x11: {  	[tilespmem:s15+$0x1020 ss:$0x81] =	vst.msk $0xffff, v0;
	s13 =	sshll.u32 s31, $0x12;
	s12 =	sadd.s32 s12, s17;
	s16 =	sshrl.u32 s16, $0x3  }
0x12: {  	[tilespmem:s15+$0x0 ss:$0x81] =	vst.msk $0xffff, v1;
	s13 =	sor.u32 $0x400, s13;
	s12 =	sadd.s32 s16, s12  }
0x13: {  	[hbm4b:s12+s13] =	stream.strided.scatter [tilespmem:s14], [sflag:$0x2], $0x2000, s8, s13, $0x20;
	[tilespmem:$0x8080] =	vst v63  }
.LBB1_5:
0x14: {  	s14 =	sadd.s32 $0x1, s9  }
0x15: {  	s12 =	sadd.s32 $0x1000, s10;
	s16 =	smov.u32 s10;
	p2 =	sgt.s32 s14, $0xC7  }
0x16: {  	s16 =	smov.u32 @p2 s12  }
0x17: {  	s14 =	simm.s32 @p2 $0x0;
	p2 =	sgt.s32 s16, $0xFFF  }
0x18: {  	s16 =	smov.u32 @p2 s2;
	p2 =	sne.s32 s11, s7  }
.Ltmp1:
0x19: {  	p1 =	slt.u32 s11, $0x2;
	(pc) =	sbr.rel @!p2 .LBB1_6-.Ltmp1, $4  }
0x1a: {  	s15 =	simm.s32 @!p1 $0x2  }
0x1b: {  	s13 =	smov.u32 s10;
	p0 =	por !p0, !p0;
	_ =	swait.ge @!p1 [sflag:s15], $0x2000  }
0x1c: {  	s12 =	smov.u32 s9;
	[sflag:s15] =	ssyncset.done @!p1 $0x0;
	s9 =	smov.u32 s14  }
0x1d: {  	s11 =	sadd.s32 $0x1, s11;
	[sflag:s15] =	ssyncadd.s32 @!p1 $0xFFFFE000;
	s10 =	smov.u32 s16  }
.LBB1_1:
0x1e: {  	p1 =	sge.u32 s11, s5  }
0x1f: {  	s14 =	sand.u32 @!p1 $0x1FFFFFF, s9  }
0x20: {  	s15 =	smulhi.u32 @!p1 $0x147AE15, s14;
	_ =	sdelay $0x1  }
0x21: {  	s15 =	smul.u32 @!p1 $0xC8, s15  }
0x22: {  	s16 =	sxor.u32 @!p1 $0xFFFFFFFF, s11;
	s17 =	smul.u32 @!p1 $0xC80, s10  }
0x23: {  	s31 =	sadd.s32 $0xFFFFFFFF, s11;
	s16 =	sshll.u32 @!p1 s16, $0xD;
	s14 =	ssub.s32 @!p1 s14, s15  }
0x24: {  	s15 =	sand.u32 @!p1 $0x2000, s16;
	s16 =	sadd.s32 @!p1 s6, s17;
	s14 =	sshll.u32 @!p1 s14, $0x4  }
0x25: {  	s17 =	simm.s32 @!p1 $0x6400;
	s14 =	sadd.s32 @!p1 s14, s16;
	s16 =	simm.s32 @!p1 $0x40  }
0x26: {  	[tilespmem:s15], [sflag:$0x1] =	stream.strided.gather @!p1 [hbm4b:s14+s16], $0x2000, s17, s16, $0x38;
	[tilespmem:$0x8080] =	vst v63  }
0x27: {  	p1 =	sge.u32 s31, s5  }
.Ltmp2:
0x28: {  	_ = 	snop;
	(pc) =	sbr.rel @p1 .LBB1_5-.Ltmp2, $1  }
0x29: {  	_ =	sdelay $0x3  }
0x2a: {  	s14 =	simm.s32 $0x1  }
0x2b: {  	_ =	swait.ge [sflag:s4], $0x2000;
	s14 =	simm.s32 @!p0 $0x0  }
0x2c: {  	[sflag:s4] =	ssyncset.done $0x0;
	s15 =	sshll.u32 s14, $0xD  }
0x2d: {  	[sflag:s4] =	ssyncadd.s32 $0xFFFFE000;
	s18 =	sor.u32 $0x20, s15  }
0x2e: {  	s14 =	smul.u32 $0x8100, s14;
	v3 =	vld [tilespmem:s18+$0x10]  }
0x2f: {  	s30 =	sand.u32 $0x1, s11;
	v2 =	vld [tilespmem:s18+$0xFFFFFFF0]  }
0x30: {  	s15 =	smul.u32 $0x8100, s30;
	s14 =	sshrl.u32 s14, $0x2;
	v0 =	vld [tilespmem:s18+$0x0]  }
0x31: {  	v1 =	vld [tilespmem:s18+$0xFFFFFFE0];
	s16 =	sor.u32 $0x4000, s14  }
0x32: {  	s31 =	sshrl.u32 s15, $0x2;
	s15 =	sadd.s32 $0x0, s16  }
0x33: {  	s17 =	simm.s32 $0x4;
	s18 =	sadd.s32 $0x40, s18;
	s14 =	sor.u32 $0x4000, s31;
	[tilespmem:s15+$0x1830 ss:$0x81] =	vst.msk $0xffff, v3  }
.LBB1_3:
0x34: {  	v3 =	vld [tilespmem:s18+$0x10];
	p1 =	sne.s32 s17, $0x1FC;
	[tilespmem:s15+$0x810 ss:$0x81] =	vst.msk $0xffff, v2;
	s19 =	smov.u32 s17;
	s17 =	sadd.s32 $0x4, s17  }
.Ltmp3:
0x35: {  	v2 =	vld [tilespmem:s18+$0xFFFFFFF0];
	[tilespmem:s15+$0x1020 ss:$0x81] =	vst.msk $0xffff, v0;
	(pc) =	sbr.rel @p1 .LBB1_3-.Ltmp3, $4  }
0x36: {  	v0 =	vld [tilespmem:s18+$0x0];
	[tilespmem:s15+$0x0 ss:$0x81] =	vst.msk $0xffff, v1  }
0x37: {  	s15 =	sshra.s32 s19, $0x2;
	v1 =	vld [tilespmem:s18+$0xFFFFFFE0]  }
0x38: {  	s15 =	sadd.s32 s15, s16  }
0x39: {  	s18 =	sadd.s32 $0x40, s18;
	[tilespmem:s15+$0x1830 ss:$0x81] =	vst.msk $0xffff, v3  }
.Ltmp4:
0x3a: {  	_ = 	snop;
	(pc) =	sbr.rel .LBB1_4-.Ltmp4, $1  }
0x3b: {  	_ =	sdelay $0x3  }
.LBB1_6:
0x3c: {  	_ =	sfence.sel $0x180000  }
0x3d: {  	s2 =	simm.s32 $0x1;
	[bflag:$0x0] =	sbarrier.arrive $0xFFFF  }
0x3e: {  	s31 =	simm.s32 $0x2;
	[sflag:s2] =	ssyncpa.u1 $0x1  }
0x3f: {  	[sflag:s31] =	ssyncpa.u1 $0x1  }
0x40: {  	p0 =	sne.s32 s0, $0x0;
	_ =	strace $0x9000004A  }
0x41: {  	s0 =	sadd.s32 @!p0 $0x100000, s1;
	[bflag:$0x2] =	sbarrier.arrive $0xFFFF  }
0x42: {  	[sflag:s0] =	ssyncadd.tile.s32 @!p0 $0x1;
	_ =	shalt  }
.Lfunc_end1:
_tile_overlayer_lowered:
.L_overlay_start_2:
0x43: {  	(tag) =	ssettag $0x2  }
0x44: {  	s0 =	rddreg [dreg:$0x0];
	s2 =	stileid.u32  }
0x45: {  	s1 =	rddreg [dreg:$0x1];
	p0 =	sne.s32 s2, $0x0  }
0x46: {  	s3 =	rddreg [dreg:$0x2];
	[bflag:$0x3] =	sbarrier.arrive $0xFFFF;
	s2 =	simm.s32 @!p0 $0x1C01  }
0x47: {  	[timem:s3], [sflag:s2] =	dma.local @!p0 [hbm:s0], s1  }
0x48: {  	s0 =	simm.s32 @!p0 $0x1  }
0x49: {  	_ =	swait.ge @!p0 [sflag:s0], s1  }
0x4a: {  	s1 =	ssub.s32 @!p0 $0x0, s1;
	[sflag:s0] =	ssyncset.done @!p0 $0x0  }
0x4b: {  	[sflag:s0] =	ssyncadd.s32 @!p0 s1  }
0x4c: {  	[bflag:$0x3] =	sbarrier.arrive $0xFFFF  }
0x4d: {  	_ =	shalt  }

</sc_bundles>
